<compile_context>
chip_gen: v7x
topology: tpu7x:2x2x1
jax: 0.10.2.dev20260603
libtpu: 0.0.44.dev20260713+nightly
codegen_flags: <defaults>
</compile_context>

<pallas_src>
import functools

import jax
import jax.numpy as jnp
from jax import lax
from jax.experimental import pallas as pl
from jax.experimental.pallas import tpu as pltpu
from jax.experimental.pallas import tpu_sc as plsc

N = 10000
E = 320000
HID = 16

NC = 2
NS = 16
NW = NC * NS
CHUNK = 128
NCH = -(-(E // NW) // CHUNK)
EPW = NCH * CHUNK
EPAD = EPW * NW
ZR = 632
NROW = ZR * NS

_mesh = plsc.VectorSubcoreMesh(core_axis_name="c", subcore_axis_name="s")


def _make_edge_pass(out_w):
    with_count = out_w == 32

    @functools.partial(
        pl.kernel,
        out_type=jax.ShapeDtypeStruct((NC, NROW, out_w), jnp.float32),
        mesh=_mesh,
        compiler_params=pltpu.CompilerParams(use_tc_tiling_on_sc=False),
        scratch_types=[
            pltpu.VMEM_SHARED((NROW, out_w), jnp.float32),
            pltpu.VMEM((CHUNK,), jnp.int32),
            pltpu.VMEM((CHUNK,), jnp.int32),
            pltpu.VMEM((CHUNK,), jnp.float32),
            pltpu.VMEM((CHUNK, 32), jnp.float32),
            pltpu.VMEM((CHUNK, out_w), jnp.float32),
            pltpu.VMEM((ZR, out_w), jnp.float32),
            pltpu.SemaphoreType.DMA,
        ],
    )
    def edge_pass(table, srcr, dstr, ur, out, acc, src_v, dst_v, u_v,
                  rows_v, msg_v, zbuf, sem):
        c = lax.axis_index("c")
        s = lax.axis_index("s")
        wid = c * NS + s
        zero16 = jnp.zeros((16,), jnp.float32)

        def zrow(i, carry):
            zbuf[i, 0:16] = zero16
            if with_count:
                zbuf[i, 16:32] = zero16
            return carry
        lax.fori_loop(0, ZR, zrow, 0)
        pltpu.sync_copy(zbuf, acc.at[pl.ds(s * ZR, ZR)])

        if with_count:
            cvec = jnp.where(lax.iota(jnp.int32, 16) == 0,
                             jnp.float32(1.0), jnp.float32(0.0))

            def mrow(i, carry):
                msg_v[i, 16:32] = cvec
                return carry
            lax.fori_loop(0, CHUNK, mrow, 0)

        plsc.subcore_barrier()

        base = wid * EPW

        def chunk(k, carry):
            off = base + k * CHUNK
            pltpu.sync_copy(srcr.at[pl.ds(off, CHUNK)], src_v)
            pltpu.sync_copy(dstr.at[pl.ds(off, CHUNK)], dst_v)
            pltpu.sync_copy(ur.at[pl.ds(off, CHUNK)], u_v)
            pltpu.async_copy(table.at[src_v], rows_v, sem).wait()

            def group(g, c2):
                u16 = u_v[pl.ds(g * 16, 16)]
                u16 = jnp.clip(u16, 0.0, 1.0)
                for j in range(16):
                    e = g * 16 + j
                    msg_v[e, 0:16] = (rows_v[e, 0:16]
                                      + u16[j] * rows_v[e, 16:32])
                return c2
            lax.fori_loop(0, CHUNK // 16, group, 0)
            pltpu.sync_copy(msg_v, acc.at[dst_v], add=True)
            return carry
        lax.fori_loop(0, NCH, chunk, 0)

        plsc.subcore_barrier()
        pltpu.sync_copy(acc.at[pl.ds(s * ZR, ZR)],
                        out.at[c, pl.ds(s * ZR, ZR)])

    return edge_pass


_edge_pass32 = _make_edge_pass(32)
_edge_pass16 = _make_edge_pass(16)


def _l1_body(x_ref, w_ref, r_ref, pd_ref, xr_ref):
    x = x_ref[...]
    p0 = jnp.dot(x, w_ref[0], preferred_element_type=jnp.float32)
    p1 = jnp.dot(x, w_ref[1], preferred_element_type=jnp.float32)
    pd_ref[...] = jnp.concatenate([p0, p1 - p0], axis=1)
    xr_ref[...] = jnp.dot(x, r_ref[...], preferred_element_type=jnp.float32)


_l1 = pl.pallas_call(
    _l1_body,
    out_shape=(jax.ShapeDtypeStruct((N, 32), jnp.float32),
               jax.ShapeDtypeStruct((N, HID), jnp.float32)),
)


def _mid_body(parts_ref, xr_ref, b1_ref, w2_ref, r2_ref, b2_ref,
              qd_ref, hrb_ref, cinv_ref):
    p = parts_ref[...]
    acc = p[0, :N] + p[1, :N]
    cinv = 1.0 / jnp.maximum(acc[:, 16:17], 1.0)
    h = acc[:, 0:16] * cinv + xr_ref[...] + b1_ref[...]
    h = jnp.where(h > 0, h, jnp.exp(jnp.minimum(h, 0.0)) - 1.0)
    q0 = jnp.dot(h, w2_ref[0], preferred_element_type=jnp.float32)
    q1 = jnp.dot(h, w2_ref[1], preferred_element_type=jnp.float32)
    qd_ref[...] = jnp.concatenate([q0, q1 - q0], axis=1)
    hrb_ref[...] = (jnp.dot(h, r2_ref[...], preferred_element_type=jnp.float32)
                    + b2_ref[...])
    cinv_ref[...] = jnp.broadcast_to(cinv, (N, HID))


_mid = pl.pallas_call(
    _mid_body,
    out_shape=(jax.ShapeDtypeStruct((N, 32), jnp.float32),
               jax.ShapeDtypeStruct((N, HID), jnp.float32),
               jax.ShapeDtypeStruct((N, HID), jnp.float32)),
)


def _fin_body(parts_ref, cinv_ref, hrb_ref, o_ref):
    p = parts_ref[...]
    o_ref[...] = (p[0, :N] + p[1, :N]) * cinv_ref[...] + hrb_ref[...]


_fin = pl.pallas_call(
    _fin_body,
    out_shape=jax.ShapeDtypeStruct((N, HID), jnp.float32),
)


def kernel(x, edge_index, edge_attr, W1, root1, b1, W2, root2, b2):
    src = edge_index[0]
    dst = edge_index[1]
    u = edge_attr[:, 0]
    pad = EPAD - E
    src_p = jnp.concatenate([src, jnp.zeros((pad,), src.dtype)])
    dst_p = jnp.concatenate([dst, jnp.full((pad,), N, dst.dtype)])
    u_p = jnp.concatenate([u, jnp.zeros((pad,), u.dtype)])

    pd1, xr1 = _l1(x, W1, root1)
    parts1 = _edge_pass32(pd1, src_p, dst_p, u_p)
    qd2, hrb, cinv = _mid(parts1, xr1, b1.reshape(1, HID), W2, root2,
                          b2.reshape(1, HID))
    parts2 = _edge_pass16(qd2, src_p, dst_p, u_p)
    return _fin(parts2, cinv, hrb)

# --- scband reference (transcript-rebuilt; emitter-appended) ---
"""Pipeline reference for scband-spline-net-30210799960814 (READ-ONLY COPY).

The authoritative reference and input builder live on the scoring server;
editing this copy changes nothing except your own understanding.
"""

import jax, jax.numpy as jnp
import numpy as np

N = 10000
E = 320000
F_IN = 128
HID = 16
N_CLS = 16


def _glorot(key, shape):
    fan = shape[-2] + shape[-1]
    s = jnp.sqrt(6.0 / fan)
    return jax.random.uniform(key, shape, minval=-s, maxval=s, dtype=jnp.float32)


def setup_inputs(seed: int = 0):
    key = jax.random.key(seed)
    ks = jax.random.split(key, 8)
    x = jax.random.normal(ks[0], (N, F_IN), dtype=jnp.float32)
    edge_index = jax.random.randint(ks[1], (2, E), 0, N, dtype=jnp.int32)
    edge_attr = jax.random.uniform(ks[2], (E, 1), dtype=jnp.float32)
    W1 = _glorot(ks[3], (2, F_IN, HID))
    root1 = _glorot(ks[4], (F_IN, HID))
    b1 = jnp.zeros((HID,), jnp.float32)
    W2 = _glorot(ks[5], (2, HID, N_CLS))
    root2 = _glorot(ks[6], (HID, N_CLS))
    b2 = jnp.zeros((N_CLS,), jnp.float32)
    return {"x": x, "edge_index": edge_index, "edge_attr": edge_attr,
            "W1": W1, "root1": root1, "b1": b1,
            "W2": W2, "root2": root2, "b2": b2}


def _spline_conv(x, edge_index, pseudo, W, root, bias):
    # SplineConv with dim=1, kernel_size=2, degree=1, open spline, aggr='mean',
    # root_weight=True, bias=True.
    src = edge_index[0]
    dst = edge_index[1]
    x_j = jnp.take(x, src, axis=0)  # gather source node features [E, Fin]
    u = jnp.clip(pseudo[:, 0], 0.0, 1.0)  # pseudo coords in [0, 1]
    # degree-1 B-spline basis over 2 kernel knots: weights (1-u, u)
    m = (1.0 - u)[:, None] * (x_j @ W[0]) + u[:, None] * (x_j @ W[1])
    agg = jax.ops.segment_sum(m, dst, num_segments=N)
    cnt = jax.ops.segment_sum(jnp.ones((m.shape[0],), m.dtype), dst, num_segments=N)
    agg = agg / jnp.maximum(cnt, 1.0)[:, None]
    return agg + x @ root + bias


def reference(x, edge_index, edge_attr, W1, root1, b1, W2, root2, b2):
    # F.dropout with training=False is identity (eval mode)
    h = jax.nn.elu(_spline_conv(x, edge_index, edge_attr, W1, root1, b1))
    out = _spline_conv(h, edge_index, edge_attr, W2, root2, b2)
    return out

if __name__ == "__main__":
    import jax
    _d = setup_inputs()
    print(jax.jit(kernel)(*tuple(_d.values())))

</pallas_src>

<mosaic_0001>
#map = affine_map<(d0, d1) -> (0, 0)>
#map1 = affine_map<(d0, d1) -> (0)>
#map2 = affine_map<(d0, d1) -> (0, 0, 0)>
module attributes {stable_mosaic.version = 14 : i64} {
  func.func @edge_pass(%arg0: i32, %arg1: i32, %arg2: memref<10000x32xf32, #tpu.memory_space<hbm>>, %arg3: memref<323584xi32, #tpu.memory_space<hbm>>, %arg4: memref<323584xi32, #tpu.memory_space<hbm>>, %arg5: memref<323584xf32, #tpu.memory_space<hbm>>, %arg6: memref<2x10112x32xf32, #tpu.memory_space<hbm>>, %arg7: memref<10112x32xf32, #tpu.memory_space<vmem_shared>>, %arg8: memref<128xi32, #tpu.memory_space<vmem>>, %arg9: memref<128xi32, #tpu.memory_space<vmem>>, %arg10: memref<128xf32, #tpu.memory_space<vmem>>, %arg11: memref<128x32xf32, #tpu.memory_space<vmem>>, %arg12: memref<128x32xf32, #tpu.memory_space<vmem>>, %arg13: memref<632x32xf32, #tpu.memory_space<vmem>>, %arg14: memref<!tpu.dma_semaphore, #tpu.memory_space<semaphore_mem>>) attributes {dimension_semantics = [#tpu.dimension_semantics<core_parallel>, #tpu.dimension_semantics<subcore_parallel>], iteration_bounds = array<i64: 2, 16>, scalar_prefetch = 0 : i64, scratch_operands = 8 : i64, tpu.core_type = #tpu.core_type<sc_vector_subcore>, window_params = [{transform_indices = #map}, {transform_indices = #map1}, {transform_indices = #map1}, {transform_indices = #map1}, {transform_indices = #map2}]} {
    %mul3A = arith.constant 16 : i32
    %mul3A_0 = arith.muli %arg0, %mul3A : i32
    %add3A = arith.addi %mul3A_0, %arg1 : i32
    %broadcast_in_dim3A = arith.constant 0.000000e+00 : f32
    %broadcast_in_dim3A_1 = vector.broadcast %broadcast_in_dim3A : f32 to vector<16xf32>
    %scan3A = arith.constant 0 : i32
    %scan3A_2 = arith.constant 0 : i32
    %scan3A_3 = arith.constant 632 : i32
    %scan3A_4 = arith.addi %scan3A_2, %scan3A_3 : i32
    %scan3A_5 = arith.constant 1 : i32
    scf.for %scan3A_33 = %scan3A_2 to %scan3A_4 step %scan3A_5  : i32 {
      %swap3A = arith.index_cast %scan3A_33 : i32 to index
      %swap3A_34 = arith.constant 0 : index
      %swap3A_35 = tpu.vector_load %arg13[%swap3A, %swap3A_34] {strides = array<i32>} : memref<632x32xf32, #tpu.memory_space<vmem>>, vector<1x16xf32>,
      %swap3A_36 = vector.shape_cast %swap3A_35 : vector<1x16xf32> to vector<16xf32>
      %swap3A_37 = vector.shape_cast %broadcast_in_dim3A_1 : vector<16xf32> to vector<1x16xf32>
      tpu.vector_store %arg13[%swap3A, %swap3A_34], %swap3A_37 {strides = array<i32>} : memref<632x32xf32, #tpu.memory_space<vmem>>, vector<1x16xf32>,
      %swap3A_38 = arith.index_cast %scan3A_33 : i32 to index
      %swap3A_39 = arith.constant 16 : index
      %swap3A_40 = tpu.vector_load %arg13[%swap3A_38, %swap3A_39] {strides = array<i32>} : memref<632x32xf32, #tpu.memory_space<vmem>>, vector<1x16xf32>,
      %swap3A_41 = vector.shape_cast %swap3A_40 : vector<1x16xf32> to vector<16xf32>
      %swap3A_42 = vector.shape_cast %broadcast_in_dim3A_1 : vector<16xf32> to vector<1x16xf32>
      tpu.vector_store %arg13[%swap3A_38, %swap3A_39], %swap3A_42 {strides = array<i32>} : memref<632x32xf32, #tpu.memory_space<vmem>>, vector<1x16xf32>,
    }
    %scan3A_6 = arith.constant 632 : i32
    %mul3A_7 = arith.constant 632 : i32
    %mul3A_8 = arith.muli %arg1, %mul3A_7 : i32
    "tpu.region"() ({
      %run_scoped3A = tpu.sem_alloc : memref<!tpu.dma_semaphore, #tpu.memory_space<semaphore_mem>>
      %dma_start3A = arith.constant 0 : i32
      %dma_start3A_33 = tpu.memref_slice %arg7[%mul3A_8, %dma_start3A] : memref<10112x32xf32, #tpu.memory_space<vmem_shared>> -> memref<632x32xf32, #tpu.memory_space<vmem_shared>>
      %dma_start3A_34 = arith.constant 0 : i32
      %dma_start3A_35 = tpu.memref_slice %arg7[%mul3A_8, %dma_start3A_34] : memref<10112x32xf32, #tpu.memory_space<vmem_shared>> -> memref<632x32xf32, #tpu.memory_space<vmem_shared>>
      tpu.enqueue_dma source(%arg13 : memref<632x32xf32, #tpu.memory_space<vmem>>) target(%dma_start3A_35 : memref<632x32xf32, #tpu.memory_space<vmem_shared>>) target_semaphore(%run_scoped3A : memref<!tpu.dma_semaphore, #tpu.memory_space<semaphore_mem>>)
      %dma_wait3A = arith.constant 0 : i32
      %dma_wait3A_36 = tpu.memref_slice %arg7[%mul3A_8, %dma_wait3A] : memref<10112x32xf32, #tpu.memory_space<vmem_shared>> -> memref<632x32xf32, #tpu.memory_space<vmem_shared>>
      %dma_wait3A_37 = arith.constant 0 : i32
      %dma_wait3A_38 = tpu.memref_slice %arg7[%mul3A_8, %dma_wait3A_37] : memref<10112x32xf32, #tpu.memory_space<vmem_shared>> -> memref<632x32xf32, #tpu.memory_space<vmem_shared>>
      tpu.wait_dma2 semaphore(%run_scoped3A : memref<!tpu.dma_semaphore, #tpu.memory_space<semaphore_mem>>) src(%arg13 : memref<632x32xf32, #tpu.memory_space<vmem>>) dst(%dma_wait3A_38 : memref<632x32xf32, #tpu.memory_space<vmem_shared>>)
      tpu.yield
    }) : () -> ()
    %iota3A = tpu.iota {dimensions = array<i32: 0>} : vector<16xi32>
    %eq3A = arith.constant 0 : i32
    %eq3A_9 = vector.broadcast %eq3A : i32 to vector<16xi32>
    %eq3A_10 = arith.cmpi eq, %iota3A, %eq3A_9 : vector<16xi32>
    %jit3A = arith.constant 1.000000e+00 : f32
    %jit3A_11 = arith.constant 0.000000e+00 : f32
    %broadcast_in_dim3A_12 = vector.broadcast %jit3A : f32 to vector<16xf32>
    %broadcast_in_dim3A_13 = vector.broadcast %jit3A_11 : f32 to vector<16xf32>
    %select_n3A = arith.select %eq3A_10, %broadcast_in_dim3A_12, %broadcast_in_dim3A_13 : vector<16xi1>, vector<16xf32>
    %scan3A_14 = arith.constant 0 : i32
    %scan3A_15 = arith.constant 0 : i32
    %scan3A_16 = arith.constant 128 : i32
    %scan3A_17 = arith.addi %scan3A_15, %scan3A_16 : i32
    %scan3A_18 = arith.constant 1 : i32
    scf.for %scan3A_33 = %scan3A_15 to %scan3A_17 step %scan3A_18  : i32 {
      %swap3A = arith.index_cast %scan3A_33 : i32 to index
      %swap3A_34 = arith.constant 16 : index
      %swap3A_35 = tpu.vector_load %arg12[%swap3A, %swap3A_34] {strides = array<i32>} : memref<128x32xf32, #tpu.memory_space<vmem>>, vector<1x16xf32>,
      %swap3A_36 = vector.shape_cast %swap3A_35 : vector<1x16xf32> to vector<16xf32>
      %swap3A_37 = vector.shape_cast %select_n3A : vector<16xf32> to vector<1x16xf32>
      tpu.vector_store %arg12[%swap3A, %swap3A_34], %swap3A_37 {strides = array<i32>} : memref<128x32xf32, #tpu.memory_space<vmem>>, vector<1x16xf32>,
    }
    %scan3A_19 = arith.constant 128 : i32
    %barrier3A = arith.constant 0 : index
    tpu.barrier barrier_id(%barrier3A)
    %mul3A_20 = arith.constant 10112 : i32
    %mul3A_21 = arith.muli %add3A, %mul3A_20 : i32
    %scan3A_22 = arith.constant 0 : i32
    %scan3A_23 = arith.constant 0 : i32
    %scan3A_24 = arith.constant 79 : i32
    %scan3A_25 = arith.addi %scan3A_23, %scan3A_24 : i32
    %scan3A_26 = arith.constant 1 : i32
    scf.for %scan3A_33 = %scan3A_23 to %scan3A_25 step %scan3A_26  : i32 {
      %mul3A_34 = arith.constant 128 : i32
      %mul3A_35 = arith.muli %scan3A_33, %mul3A_34 : i32
      %add3A_36 = arith.addi %mul3A_21, %mul3A_35 : i32
      "tpu.region"() ({
        %run_scoped3A = tpu.sem_alloc : memref<!tpu.dma_semaphore, #tpu.memory_space<semaphore_mem>>
        %dma_start3A_47 = tpu.memref_slice %arg3[%add3A_36] : memref<323584xi32, #tpu.memory_space<hbm>> -> memref<128xi32, #tpu.memory_space<hbm>>
        %dma_start3A_48 = tpu.memref_slice %arg3[%add3A_36] : memref<323584xi32, #tpu.memory_space<hbm>> -> memref<128xi32, #tpu.memory_space<hbm>>
        tpu.enqueue_dma source(%dma_start3A_48 : memref<128xi32, #tpu.memory_space<hbm>>) target(%arg8 : memref<128xi32, #tpu.memory_space<vmem>>) target_semaphore(%run_scoped3A : memref<!tpu.dma_semaphore, #tpu.memory_space<semaphore_mem>>)
        %dma_wait3A_49 = tpu.memref_slice %arg3[%add3A_36] : memref<323584xi32, #tpu.memory_space<hbm>> -> memref<128xi32, #tpu.memory_space<hbm>>
        %dma_wait3A_50 = tpu.memref_slice %arg3[%add3A_36] : memref<323584xi32, #tpu.memory_space<hbm>> -> memref<128xi32, #tpu.memory_space<hbm>>
        tpu.wait_dma2 semaphore(%run_scoped3A : memref<!tpu.dma_semaphore, #tpu.memory_space<semaphore_mem>>) src(%dma_wait3A_50 : memref<128xi32, #tpu.memory_space<hbm>>) dst(%arg8 : memref<128xi32, #tpu.memory_space<vmem>>)
        tpu.yield
      }) : () -> ()
      "tpu.region"() ({
        %run_scoped3A = tpu.sem_alloc : memref<!tpu.dma_semaphore, #tpu.memory_space<semaphore_mem>>
        %dma_start3A_47 = tpu.memref_slice %arg4[%add3A_36] : memref<323584xi32, #tpu.memory_space<hbm>> -> memref<128xi32, #tpu.memory_space<hbm>>
        %dma_start3A_48 = tpu.memref_slice %arg4[%add3A_36] : memref<323584xi32, #tpu.memory_space<hbm>> -> memref<128xi32, #tpu.memory_space<hbm>>
        tpu.enqueue_dma source(%dma_start3A_48 : memref<128xi32, #tpu.memory_space<hbm>>) target(%arg9 : memref<128xi32, #tpu.memory_space<vmem>>) target_semaphore(%run_scoped3A : memref<!tpu.dma_semaphore, #tpu.memory_space<semaphore_mem>>)
        %dma_wait3A_49 = tpu.memref_slice %arg4[%add3A_36] : memref<323584xi32, #tpu.memory_space<hbm>> -> memref<128xi32, #tpu.memory_space<hbm>>
        %dma_wait3A_50 = tpu.memref_slice %arg4[%add3A_36] : memref<323584xi32, #tpu.memory_space<hbm>> -> memref<128xi32, #tpu.memory_space<hbm>>
        tpu.wait_dma2 semaphore(%run_scoped3A : memref<!tpu.dma_semaphore, #tpu.memory_space<semaphore_mem>>) src(%dma_wait3A_50 : memref<128xi32, #tpu.memory_space<hbm>>) dst(%arg9 : memref<128xi32, #tpu.memory_space<vmem>>)
        tpu.yield
      }) : () -> ()
      "tpu.region"() ({
        %run_scoped3A = tpu.sem_alloc : memref<!tpu.dma_semaphore, #tpu.memory_space<semaphore_mem>>
        %dma_start3A_47 = tpu.memref_slice %arg5[%add3A_36] : memref<323584xf32, #tpu.memory_space<hbm>> -> memref<128xf32, #tpu.memory_space<hbm>>
        %dma_start3A_48 = tpu.memref_slice %arg5[%add3A_36] : memref<323584xf32, #tpu.memory_space<hbm>> -> memref<128xf32, #tpu.memory_space<hbm>>
        tpu.enqueue_dma source(%dma_start3A_48 : memref<128xf32, #tpu.memory_space<hbm>>) target(%arg10 : memref<128xf32, #tpu.memory_space<vmem>>) target_semaphore(%run_scoped3A : memref<!tpu.dma_semaphore, #tpu.memory_space<semaphore_mem>>)
        %dma_wait3A_49 = tpu.memref_slice %arg5[%add3A_36] : memref<323584xf32, #tpu.memory_space<hbm>> -> memref<128xf32, #tpu.memory_space<hbm>>
        %dma_wait3A_50 = tpu.memref_slice %arg5[%add3A_36] : memref<323584xf32, #tpu.memory_space<hbm>> -> memref<128xf32, #tpu.memory_space<hbm>>
        tpu.wait_dma2 semaphore(%run_scoped3A : memref<!tpu.dma_semaphore, #tpu.memory_space<semaphore_mem>>) src(%dma_wait3A_50 : memref<128xf32, #tpu.memory_space<hbm>>) dst(%arg10 : memref<128xf32, #tpu.memory_space<vmem>>)
        tpu.yield
      }) : () -> ()
      %dma_start3A = arith.constant 0 : i32
      %dma_start3A_37 = arith.constant 0 : i32
      %dma_start3A_38 = tpu.memref_slice %arg2[%dma_start3A, %dma_start3A_37] : memref<10000x32xf32, #tpu.memory_space<hbm>> -> memref<10000x32xf32, #tpu.memory_space<hbm>>
      tpu.enqueue_indirect_dma source(%dma_start3A_38 : memref<10000x32xf32, #tpu.memory_space<hbm>>) target(%arg11 : memref<128x32xf32, #tpu.memory_space<vmem>>) offsets(%arg8 : memref<128xi32, #tpu.memory_space<vmem>>) semaphore(%arg14 : memref<!tpu.dma_semaphore, #tpu.memory_space<semaphore_mem>>)
      %dma_wait3A = arith.constant 0 : i32
      %dma_wait3A_39 = arith.constant 0 : i32
      %dma_wait3A_40 = tpu.memref_slice %arg2[%dma_wait3A, %dma_wait3A_39] : memref<10000x32xf32, #tpu.memory_space<hbm>> -> memref<10000x32xf32, #tpu.memory_space<hbm>>
      tpu.wait_indirect_dma semaphore(%arg14 : memref<!tpu.dma_semaphore, #tpu.memory_space<semaphore_mem>>) src(%dma_wait3A_40 : memref<10000x32xf32, #tpu.memory_space<hbm>>) dst(%arg11 : memref<128x32xf32, #tpu.memory_space<vmem>>)
      %scan3A_41 = arith.constant 0 : i32
      %scan3A_42 = arith.constant 0 : i32
      %scan3A_43 = arith.constant 8 : i32
      %scan3A_44 = arith.addi %scan3A_42, %scan3A_43 : i32
      %scan3A_45 = arith.constant 1 : i32
      scf.for %scan3A_47 = %scan3A_42 to %scan3A_44 step %scan3A_45  : i32 {
        %mul3A_48 = arith.constant 16 : i32
        %mul3A_49 = arith.muli %scan3A_47, %mul3A_48 : i32
        %get3A = arith.index_cast %mul3A_49 : i32 to index
        %get3A_50 = tpu.vector_load %arg10[%get3A] {strides = array<i32>} : memref<128xf32, #tpu.memory_space<vmem>>, vector<16xf32>,
        %get3A_51 = vector.shape_cast %get3A_50 : vector<16xf32> to vector<16xf32>
        %jit3A_52 = arith.constant 0.000000e+00 : f32
        %jit3A_53 = arith.constant 1.000000e+00 : f32
        %max3A = vector.broadcast %jit3A_52 : f32 to vector<16xf32>
        %max3A_54 = arith.maximumf %max3A, %get3A_51 : vector<16xf32>
        %min3A = vector.broadcast %jit3A_53 : f32 to vector<16xf32>
        %min3A_55 = arith.minimumf %min3A, %max3A_54 : vector<16xf32>
        %mul3A_56 = arith.constant 16 : i32
        %mul3A_57 = arith.muli %scan3A_47, %mul3A_56 : i32
        %add3A_58 = arith.constant 0 : i32
        %add3A_59 = arith.addi %mul3A_57, %add3A_58 : i32
        %get3A_60 = arith.index_cast %add3A_59 : i32 to index
        %get3A_61 = arith.constant 0 : index
        %get3A_62 = tpu.vector_load %arg11[%get3A_60, %get3A_61] {strides = array<i32>} : memref<128x32xf32, #tpu.memory_space<vmem>>, vector<1x16xf32>,
        %get3A_63 = vector.shape_cast %get3A_62 : vector<1x16xf32> to vector<16xf32>
        %slice3A = vector.extract_strided_slice %min3A_55 {offsets = [0], sizes = [1], strides = [1]} : vector<16xf32> to vector<1xf32>
        %squeeze3A = vector.extract %slice3A[0] : f32 from vector<1xf32>
        %get3A_64 = arith.index_cast %add3A_59 : i32 to index
        %get3A_65 = arith.constant 16 : index
        %get3A_66 = tpu.vector_load %arg11[%get3A_64, %get3A_65] {strides = array<i32>} : memref<128x32xf32, #tpu.memory_space<vmem>>, vector<1x16xf32>,
        %get3A_67 = vector.shape_cast %get3A_66 : vector<1x16xf32> to vector<16xf32>
        %mul3A_68 = vector.broadcast %squeeze3A : f32 to vector<16xf32>
        %mul3A_69 = arith.mulf %mul3A_68, %get3A_67 : vector<16xf32>
        %add3A_70 = arith.addf %get3A_63, %mul3A_69 : vector<16xf32>
        %swap3A = arith.index_cast %add3A_59 : i32 to index
        %swap3A_71 = arith.constant 0 : index
        %swap3A_72 = tpu.vector_load %arg12[%swap3A, %swap3A_71] {strides = array<i32>} : memref<128x32xf32, #tpu.memory_space<vmem>>, vector<1x16xf32>,
        %swap3A_73 = vector.shape_cast %swap3A_72 : vector<1x16xf32> to vector<16xf32>
        %swap3A_74 = vector.shape_cast %add3A_70 : vector<16xf32> to vector<1x16xf32>
        tpu.vector_store %arg12[%swap3A, %swap3A_71], %swap3A_74 {strides = array<i32>} : memref<128x32xf32, #tpu.memory_space<vmem>>, vector<1x16xf32>,
        %mul3A_75 = arith.constant 16 : i32
        %mul3A_76 = arith.muli %scan3A_47, %mul3A_75 : i32
        %add3A_77 = arith.constant 1 : i32
        %add3A_78 = arith.addi %mul3A_76, %add3A_77 : i32
        %get3A_79 = arith.index_cast %add3A_78 : i32 to index
        %get3A_80 = arith.constant 0 : index
        %get3A_81 = tpu.vector_load %arg11[%get3A_79, %get3A_80] {strides = array<i32>} : memref<128x32xf32, #tpu.memory_space<vmem>>, vector<1x16xf32>,
        %get3A_82 = vector.shape_cast %get3A_81 : vector<1x16xf32> to vector<16xf32>
        %slice3A_83 = vector.extract_strided_slice %min3A_55 {offsets = [1], sizes = [1], strides = [1]} : vector<16xf32> to vector<1xf32>
        %squeeze3A_84 = vector.extract %slice3A_83[0] : f32 from vector<1xf32>
        %get3A_85 = arith.index_cast %add3A_78 : i32 to index
        %get3A_86 = arith.constant 16 : index
        %get3A_87 = tpu.vector_load %arg11[%get3A_85, %get3A_86] {strides = array<i32>} : memref<128x32xf32, #tpu.memory_space<vmem>>, vector<1x16xf32>,
        %get3A_88 = vector.shape_cast %get3A_87 : vector<1x16xf32> to vector<16xf32>
        %mul3A_89 = vector.broadcast %squeeze3A_84 : f32 to vector<16xf32>
        %mul3A_90 = arith.mulf %mul3A_89, %get3A_88 : vector<16xf32>
        %add3A_91 = arith.addf %get3A_82, %mul3A_90 : vector<16xf32>
        %swap3A_92 = arith.index_cast %add3A_78 : i32 to index
        %swap3A_93 = arith.constant 0 : index
        %swap3A_94 = tpu.vector_load %arg12[%swap3A_92, %swap3A_93] {strides = array<i32>} : memref<128x32xf32, #tpu.memory_space<vmem>>, vector<1x16xf32>,
        %swap3A_95 = vector.shape_cast %swap3A_94 : vector<1x16xf32> to vector<16xf32>
        %swap3A_96 = vector.shape_cast %add3A_91 : vector<16xf32> to vector<1x16xf32>
        tpu.vector_store %arg12[%swap3A_92, %swap3A_93], %swap3A_96 {strides = array<i32>} : memref<128x32xf32, #tpu.memory_space<vmem>>, vector<1x16xf32>,
        %mul3A_97 = arith.constant 16 : i32
        %mul3A_98 = arith.muli %scan3A_47, %mul3A_97 : i32
        %add3A_99 = arith.constant 2 : i32
        %add3A_100 = arith.addi %mul3A_98, %add3A_99 : i32
        %get3A_101 = arith.index_cast %add3A_100 : i32 to index
        %get3A_102 = arith.constant 0 : index
        %get3A_103 = tpu.vector_load %arg11[%get3A_101, %get3A_102] {strides = array<i32>} : memref<128x32xf32, #tpu.memory_space<vmem>>, vector<1x16xf32>,
        %get3A_104 = vector.shape_cast %get3A_103 : vector<1x16xf32> to vector<16xf32>
        %slice3A_105 = vector.extract_strided_slice %min3A_55 {offsets = [2], sizes = [1], strides = [1]} : vector<16xf32> to vector<1xf32>
        %squeeze3A_106 = vector.extract %slice3A_105[0] : f32 from vector<1xf32>
        %get3A_107 = arith.index_cast %add3A_100 : i32 to index
        %get3A_108 = arith.constant 16 : index
        %get3A_109 = tpu.vector_load %arg11[%get3A_107, %get3A_108] {strides = array<i32>} : memref<128x32xf32, #tpu.memory_space<vmem>>, vector<1x16xf32>,
        %get3A_110 = vector.shape_cast %get3A_109 : vector<1x16xf32> to vector<16xf32>
        %mul3A_111 = vector.broadcast %squeeze3A_106 : f32 to vector<16xf32>
        %mul3A_112 = arith.mulf %mul3A_111, %get3A_110 : vector<16xf32>
        %add3A_113 = arith.addf %get3A_104, %mul3A_112 : vector<16xf32>
        %swap3A_114 = arith.index_cast %add3A_100 : i32 to index
        %swap3A_115 = arith.constant 0 : index
        %swap3A_116 = tpu.vector_load %arg12[%swap3A_114, %swap3A_115] {strides = array<i32>} : memref<128x32xf32, #tpu.memory_space<vmem>>, vector<1x16xf32>,
        %swap3A_117 = vector.shape_cast %swap3A_116 : vector<1x16xf32> to vector<16xf32>
        %swap3A_118 = vector.shape_cast %add3A_113 : vector<16xf32> to vector<1x16xf32>
        tpu.vector_store %arg12[%swap3A_114, %swap3A_115], %swap3A_118 {strides = array<i32>} : memref<128x32xf32, #tpu.memory_space<vmem>>, vector<1x16xf32>,
        %mul3A_119 = arith.constant 16 : i32
        %mul3A_120 = arith.muli %scan3A_47, %mul3A_119 : i32
        %add3A_121 = arith.constant 3 : i32
        %add3A_122 = arith.addi %mul3A_120, %add3A_121 : i32
        %get3A_123 = arith.index_cast %add3A_122 : i32 to index
        %get3A_124 = arith.constant 0 : index
        %get3A_125 = tpu.vector_load %arg11[%get3A_123, %get3A_124] {strides = array<i32>} : memref<128x32xf32, #tpu.memory_space<vmem>>, vector<1x16xf32>,
        %get3A_126 = vector.shape_cast %get3A_125 : vector<1x16xf32> to vector<16xf32>
        %slice3A_127 = vector.extract_strided_slice %min3A_55 {offsets = [3], sizes = [1], strides = [1]} : vector<16xf32> to vector<1xf32>
        %squeeze3A_128 = vector.extract %slice3A_127[0] : f32 from vector<1xf32>
        %get3A_129 = arith.index_cast %add3A_122 : i32 to index
        %get3A_130 = arith.constant 16 : index
        %get3A_131 = tpu.vector_load %arg11[%get3A_129, %get3A_130] {strides = array<i32>} : memref<128x32xf32, #tpu.memory_space<vmem>>, vector<1x16xf32>,
        %get3A_132 = vector.shape_cast %get3A_131 : vector<1x16xf32> to vector<16xf32>
        %mul3A_133 = vector.broadcast %squeeze3A_128 : f32 to vector<16xf32>
        %mul3A_134 = arith.mulf %mul3A_133, %get3A_132 : vector<16xf32>
        %add3A_135 = arith.addf %get3A_126, %mul3A_134 : vector<16xf32>
        %swap3A_136 = arith.index_cast %add3A_122 : i32 to index
        %swap3A_137 = arith.constant 0 : index
        %swap3A_138 = tpu.vector_load %arg12[%swap3A_136, %swap3A_137] {strides = array<i32>} : memref<128x32xf32, #tpu.memory_space<vmem>>, vector<1x16xf32>,
        %swap3A_139 = vector.shape_cast %swap3A_138 : vector<1x16xf32> to vector<16xf32>
        %swap3A_140 = vector.shape_cast %add3A_135 : vector<16xf32> to vector<1x16xf32>
        tpu.vector_store %arg12[%swap3A_136, %swap3A_137], %swap3A_140 {strides = array<i32>} : memref<128x32xf32, #tpu.memory_space<vmem>>, vector<1x16xf32>,
        %mul3A_141 = arith.constant 16 : i32
        %mul3A_142 = arith.muli %scan3A_47, %mul3A_141 : i32
        %add3A_143 = arith.constant 4 : i32
        %add3A_144 = arith.addi %mul3A_142, %add3A_143 : i32
        %get3A_145 = arith.index_cast %add3A_144 : i32 to index
        %get3A_146 = arith.constant 0 : index
        %get3A_147 = tpu.vector_load %arg11[%get3A_145, %get3A_146] {strides = array<i32>} : memref<128x32xf32, #tpu.memory_space<vmem>>, vector<1x16xf32>,
        %get3A_148 = vector.shape_cast %get3A_147 : vector<1x16xf32> to vector<16xf32>
        %slice3A_149 = vector.extract_strided_slice %min3A_55 {offsets = [4], sizes = [1], strides = [1]} : vector<16xf32> to vector<1xf32>
        %squeeze3A_150 = vector.extract %slice3A_149[0] : f32 from vector<1xf32>
        %get3A_151 = arith.index_cast %add3A_144 : i32 to index
        %get3A_152 = arith.constant 16 : index
        %get3A_153 = tpu.vector_load %arg11[%get3A_151, %get3A_152] {strides = array<i32>} : memref<128x32xf32, #tpu.memory_space<vmem>>, vector<1x16xf32>,
        %get3A_154 = vector.shape_cast %get3A_153 : vector<1x16xf32> to vector<16xf32>
        %mul3A_155 = vector.broadcast %squeeze3A_150 : f32 to vector<16xf32>
        %mul3A_156 = arith.mulf %mul3A_155, %get3A_154 : vector<16xf32>
        %add3A_157 = arith.addf %get3A_148, %mul3A_156 : vector<16xf32>
        %swap3A_158 = arith.index_cast %add3A_144 : i32 to index
        %swap3A_159 = arith.constant 0 : index
        %swap3A_160 = tpu.vector_load %arg12[%swap3A_158, %swap3A_159] {strides = array<i32>} : memref<128x32xf32, #tpu.memory_space<vmem>>, vector<1x16xf32>,
        %swap3A_161 = vector.shape_cast %swap3A_160 : vector<1x16xf32> to vector<16xf32>
        %swap3A_162 = vector.shape_cast %add3A_157 : vector<16xf32> to vector<1x16xf32>
        tpu.vector_store %arg12[%swap3A_158, %swap3A_159], %swap3A_162 {strides = array<i32>} : memref<128x32xf32, #tpu.memory_space<vmem>>, vector<1x16xf32>,
        %mul3A_163 = arith.constant 16 : i32
        %mul3A_164 = arith.muli %scan3A_47, %mul3A_163 : i32
        %add3A_165 = arith.constant 5 : i32
        %add3A_166 = arith.addi %mul3A_164, %add3A_165 : i32
        %get3A_167 = arith.index_cast %add3A_166 : i32 to index
        %get3A_168 = arith.constant 0 : index
        %get3A_169 = tpu.vector_load %arg11[%get3A_167, %get3A_168] {strides = array<i32>} : memref<128x32xf32, #tpu.memory_space<vmem>>, vector<1x16xf32>,
        %get3A_170 = vector.shape_cast %get3A_169 : vector<1x16xf32> to vector<16xf32>
        %slice3A_171 = vector.extract_strided_slice %min3A_55 {offsets = [5], sizes = [1], strides = [1]} : vector<16xf32> to vector<1xf32>
        %squeeze3A_172 = vector.extract %slice3A_171[0] : f32 from vector<1xf32>
        %get3A_173 = arith.index_cast %add3A_166 : i32 to index
        %get3A_174 = arith.constant 16 : index
        %get3A_175 = tpu.vector_load %arg11[%get3A_173, %get3A_174] {strides = array<i32>} : memref<128x32xf32, #tpu.memory_space<vmem>>, vector<1x16xf32>,
        %get3A_176 = vector.shape_cast %get3A_175 : vector<1x16xf32> to vector<16xf32>
        %mul3A_177 = vector.broadcast %squeeze3A_172 : f32 to vector<16xf32>
        %mul3A_178 = arith.mulf %mul3A_177, %get3A_176 : vector<16xf32>
        %add3A_179 = arith.addf %get3A_170, %mul3A_178 : vector<16xf32>
        %swap3A_180 = arith.index_cast %add3A_166 : i32 to index
        %swap3A_181 = arith.constant 0 : index
        %swap3A_182 = tpu.vector_load %arg12[%swap3A_180, %swap3A_181] {strides = array<i32>} : memref<128x32xf32, #tpu.memory_space<vmem>>, vector<1x16xf32>,
        %swap3A_183 = vector.shape_cast %swap3A_182 : vector<1x16xf32> to vector<16xf32>
        %swap3A_184 = vector.shape_cast %add3A_179 : vector<16xf32> to vector<1x16xf32>
        tpu.vector_store %arg12[%swap3A_180, %swap3A_181], %swap3A_184 {strides = array<i32>} : memref<128x32xf32, #tpu.memory_space<vmem>>, vector<1x16xf32>,
        %mul3A_185 = arith.constant 16 : i32
        %mul3A_186 = arith.muli %scan3A_47, %mul3A_185 : i32
        %add3A_187 = arith.constant 6 : i32
        %add3A_188 = arith.addi %mul3A_186, %add3A_187 : i32
        %get3A_189 = arith.index_cast %add3A_188 : i32 to index
        %get3A_190 = arith.constant 0 : index
        %get3A_191 = tpu.vector_load %arg11[%get3A_189, %get3A_190] {strides = array<i32>} : memref<128x32xf32, #tpu.memory_space<vmem>>, vector<1x16xf32>,
        %get3A_192 = vector.shape_cast %get3A_191 : vector<1x16xf32> to vector<16xf32>
        %slice3A_193 = vector.extract_strided_slice %min3A_55 {offsets = [6], sizes = [1], strides = [1]} : vector<16xf32> to vector<1xf32>
        %squeeze3A_194 = vector.extract %slice3A_193[0] : f32 from vector<1xf32>
        %get3A_195 = arith.index_cast %add3A_188 : i32 to index
        %get3A_196 = arith.constant 16 : index
        %get3A_197 = tpu.vector_load %arg11[%get3A_195, %get3A_196] {strides = array<i32>} : memref<128x32xf32, #tpu.memory_space<vmem>>, vector<1x16xf32>,
        %get3A_198 = vector.shape_cast %get3A_197 : vector<1x16xf32> to vector<16xf32>
        %mul3A_199 = vector.broadcast %squeeze3A_194 : f32 to vector<16xf32>
        %mul3A_200 = arith.mulf %mul3A_199, %get3A_198 : vector<16xf32>
        %add3A_201 = arith.addf %get3A_192, %mul3A_200 : vector<16xf32>
        %swap3A_202 = arith.index_cast %add3A_188 : i32 to index
        %swap3A_203 = arith.constant 0 : index
        %swap3A_204 = tpu.vector_load %arg12[%swap3A_202, %swap3A_203] {strides = array<i32>} : memref<128x32xf32, #tpu.memory_space<vmem>>, vector<1x16xf32>,
        %swap3A_205 = vector.shape_cast %swap3A_204 : vector<1x16xf32> to vector<16xf32>
        %swap3A_206 = vector.shape_cast %add3A_201 : vector<16xf32> to vector<1x16xf32>
        tpu.vector_store %arg12[%swap3A_202, %swap3A_203], %swap3A_206 {strides = array<i32>} : memref<128x32xf32, #tpu.memory_space<vmem>>, vector<1x16xf32>,
        %mul3A_207 = arith.constant 16 : i32
        %mul3A_208 = arith.muli %scan3A_47, %mul3A_207 : i32
        %add3A_209 = arith.constant 7 : i32
        %add3A_210 = arith.addi %mul3A_208, %add3A_209 : i32
        %get3A_211 = arith.index_cast %add3A_210 : i32 to index
        %get3A_212 = arith.constant 0 : index
        %get3A_213 = tpu.vector_load %arg11[%get3A_211, %get3A_212] {strides = array<i32>} : memref<128x32xf32, #tpu.memory_space<vmem>>, vector<1x16xf32>,
        %get3A_214 = vector.shape_cast %get3A_213 : vector<1x16xf32> to vector<16xf32>
        %slice3A_215 = vector.extract_strided_slice %min3A_55 {offsets = [7], sizes = [1], strides = [1]} : vector<16xf32> to vector<1xf32>
        %squeeze3A_216 = vector.extract %slice3A_215[0] : f32 from vector<1xf32>
        %get3A_217 = arith.index_cast %add3A_210 : i32 to index
        %get3A_218 = arith.constant 16 : index
        %get3A_219 = tpu.vector_load %arg11[%get3A_217, %get3A_218] {strides = array<i32>} : memref<128x32xf32, #tpu.memory_space<vmem>>, vector<1x16xf32>,
        %get3A_220 = vector.shape_cast %get3A_219 : vector<1x16xf32> to vector<16xf32>
        %mul3A_221 = vector.broadcast %squeeze3A_216 : f32 to vector<16xf32>
        %mul3A_222 = arith.mulf %mul3A_221, %get3A_220 : vector<16xf32>
        %add3A_223 = arith.addf %get3A_214, %mul3A_222 : vector<16xf32>
        %swap3A_224 = arith.index_cast %add3A_210 : i32 to index
        %swap3A_225 = arith.constant 0 : index
        %swap3A_226 = tpu.vector_load %arg12[%swap3A_224, %swap3A_225] {strides = array<i32>} : memref<128x32xf32, #tpu.memory_space<vmem>>, vector<1x16xf32>,
        %swap3A_227 = vector.shape_cast %swap3A_226 : vector<1x16xf32> to vector<16xf32>
        %swap3A_228 = vector.shape_cast %add3A_223 : vector<16xf32> to vector<1x16xf32>
        tpu.vector_store %arg12[%swap3A_224, %swap3A_225], %swap3A_228 {strides = array<i32>} : memref<128x32xf32, #tpu.memory_space<vmem>>, vector<1x16xf32>,
        %mul3A_229 = arith.constant 16 : i32
        %mul3A_230 = arith.muli %scan3A_47, %mul3A_229 : i32
        %add3A_231 = arith.constant 8 : i32
        %add3A_232 = arith.addi %mul3A_230, %add3A_231 : i32
        %get3A_233 = arith.index_cast %add3A_232 : i32 to index
        %get3A_234 = arith.constant 0 : index
        %get3A_235 = tpu.vector_load %arg11[%get3A_233, %get3A_234] {strides = array<i32>} : memref<128x32xf32, #tpu.memory_space<vmem>>, vector<1x16xf32>,
        %get3A_236 = vector.shape_cast %get3A_235 : vector<1x16xf32> to vector<16xf32>
        %slice3A_237 = vector.extract_strided_slice %min3A_55 {offsets = [8], sizes = [1], strides = [1]} : vector<16xf32> to vector<1xf32>
        %squeeze3A_238 = vector.extract %slice3A_237[0] : f32 from vector<1xf32>
        %get3A_239 = arith.index_cast %add3A_232 : i32 to index
        %get3A_240 = arith.constant 16 : index
        %get3A_241 = tpu.vector_load %arg11[%get3A_239, %get3A_240] {strides = array<i32>} : memref<128x32xf32, #tpu.memory_space<vmem>>, vector<1x16xf32>,
        %get3A_242 = vector.shape_cast %get3A_241 : vector<1x16xf32> to vector<16xf32>
        %mul3A_243 = vector.broadcast %squeeze3A_238 : f32 to vector<16xf32>
        %mul3A_244 = arith.mulf %mul3A_243, %get3A_242 : vector<16xf32>
        %add3A_245 = arith.addf %get3A_236, %mul3A_244 : vector<16xf32>
        %swap3A_246 = arith.index_cast %add3A_232 : i32 to index
        %swap3A_247 = arith.constant 0 : index
        %swap3A_248 = tpu.vector_load %arg12[%swap3A_246, %swap3A_247] {strides = array<i32>} : memref<128x32xf32, #tpu.memory_space<vmem>>, vector<1x16xf32>,
        %swap3A_249 = vector.shape_cast %swap3A_248 : vector<1x16xf32> to vector<16xf32>
        %swap3A_250 = vector.shape_cast %add3A_245 : vector<16xf32> to vector<1x16xf32>
        tpu.vector_store %arg12[%swap3A_246, %swap3A_247], %swap3A_250 {strides = array<i32>} : memref<128x32xf32, #tpu.memory_space<vmem>>, vector<1x16xf32>,
        %mul3A_251 = arith.constant 16 : i32
        %mul3A_252 = arith.muli %scan3A_47, %mul3A_251 : i32
        %add3A_253 = arith.constant 9 : i32
        %add3A_254 = arith.addi %mul3A_252, %add3A_253 : i32
        %get3A_255 = arith.index_cast %add3A_254 : i32 to index
        %get3A_256 = arith.constant 0 : index
        %get3A_257 = tpu.vector_load %arg11[%get3A_255, %get3A_256] {strides = array<i32>} : memref<128x32xf32, #tpu.memory_space<vmem>>, vector<1x16xf32>,
        %get3A_258 = vector.shape_cast %get3A_257 : vector<1x16xf32> to vector<16xf32>
        %slice3A_259 = vector.extract_strided_slice %min3A_55 {offsets = [9], sizes = [1], strides = [1]} : vector<16xf32> to vector<1xf32>
        %squeeze3A_260 = vector.extract %slice3A_259[0] : f32 from vector<1xf32>
        %get3A_261 = arith.index_cast %add3A_254 : i32 to index
        %get3A_262 = arith.constant 16 : index
        %get3A_263 = tpu.vector_load %arg11[%get3A_261, %get3A_262] {strides = array<i32>} : memref<128x32xf32, #tpu.memory_space<vmem>>, vector<1x16xf32>,
        %get3A_264 = vector.shape_cast %get3A_263 : vector<1x16xf32> to vector<16xf32>
        %mul3A_265 = vector.broadcast %squeeze3A_260 : f32 to vector<16xf32>
        %mul3A_266 = arith.mulf %mul3A_265, %get3A_264 : vector<16xf32>
        %add3A_267 = arith.addf %get3A_258, %mul3A_266 : vector<16xf32>
        %swap3A_268 = arith.index_cast %add3A_254 : i32 to index
        %swap3A_269 = arith.constant 0 : index
        %swap3A_270 = tpu.vector_load %arg12[%swap3A_268, %swap3A_269] {strides = array<i32>} : memref<128x32xf32, #tpu.memory_space<vmem>>, vector<1x16xf32>,
        %swap3A_271 = vector.shape_cast %swap3A_270 : vector<1x16xf32> to vector<16xf32>
        %swap3A_272 = vector.shape_cast %add3A_267 : vector<16xf32> to vector<1x16xf32>
        tpu.vector_store %arg12[%swap3A_268, %swap3A_269], %swap3A_272 {strides = array<i32>} : memref<128x32xf32, #tpu.memory_space<vmem>>, vector<1x16xf32>,
        %mul3A_273 = arith.constant 16 : i32
        %mul3A_274 = arith.muli %scan3A_47, %mul3A_273 : i32
        %add3A_275 = arith.constant 10 : i32
        %add3A_276 = arith.addi %mul3A_274, %add3A_275 : i32
        %get3A_277 = arith.index_cast %add3A_276 : i32 to index
        %get3A_278 = arith.constant 0 : index
        %get3A_279 = tpu.vector_load %arg11[%get3A_277, %get3A_278] {strides = array<i32>} : memref<128x32xf32, #tpu.memory_space<vmem>>, vector<1x16xf32>,
        %get3A_280 = vector.shape_cast %get3A_279 : vector<1x16xf32> to vector<16xf32>
        %slice3A_281 = vector.extract_strided_slice %min3A_55 {offsets = [10], sizes = [1], strides = [1]} : vector<16xf32> to vector<1xf32>
        %squeeze3A_282 = vector.extract %slice3A_281[0] : f32 from vector<1xf32>
        %get3A_283 = arith.index_cast %add3A_276 : i32 to index
        %get3A_284 = arith.constant 16 : index
        %get3A_285 = tpu.vector_load %arg11[%get3A_283, %get3A_284] {strides = array<i32>} : memref<128x32xf32, #tpu.memory_space<vmem>>, vector<1x16xf32>,
        %get3A_286 = vector.shape_cast %get3A_285 : vector<1x16xf32> to vector<16xf32>
        %mul3A_287 = vector.broadcast %squeeze3A_282 : f32 to vector<16xf32>
        %mul3A_288 = arith.mulf %mul3A_287, %get3A_286 : vector<16xf32>
        %add3A_289 = arith.addf %get3A_280, %mul3A_288 : vector<16xf32>
        %swap3A_290 = arith.index_cast %add3A_276 : i32 to index
        %swap3A_291 = arith.constant 0 : index
        %swap3A_292 = tpu.vector_load %arg12[%swap3A_290, %swap3A_291] {strides = array<i32>} : memref<128x32xf32, #tpu.memory_space<vmem>>, vector<1x16xf32>,
        %swap3A_293 = vector.shape_cast %swap3A_292 : vector<1x16xf32> to vector<16xf32>
        %swap3A_294 = vector.shape_cast %add3A_289 : vector<16xf32> to vector<1x16xf32>
        tpu.vector_store %arg12[%swap3A_290, %swap3A_291], %swap3A_294 {strides = array<i32>} : memref<128x32xf32, #tpu.memory_space<vmem>>, vector<1x16xf32>,
        %mul3A_295 = arith.constant 16 : i32
        %mul3A_296 = arith.muli %scan3A_47, %mul3A_295 : i32
        %add3A_297 = arith.constant 11 : i32
        %add3A_298 = arith.addi %mul3A_296, %add3A_297 : i32
        %get3A_299 = arith.index_cast %add3A_298 : i32 to index
        %get3A_300 = arith.constant 0 : index
        %get3A_301 = tpu.vector_load %arg11[%get3A_299, %get3A_300] {strides = array<i32>} : memref<128x32xf32, #tpu.memory_space<vmem>>, vector<1x16xf32>,
        %get3A_302 = vector.shape_cast %get3A_301 : vector<1x16xf32> to vector<16xf32>
        %slice3A_303 = vector.extract_strided_slice %min3A_55 {offsets = [11], sizes = [1], strides = [1]} : vector<16xf32> to vector<1xf32>
        %squeeze3A_304 = vector.extract %slice3A_303[0] : f32 from vector<1xf32>
        %get3A_305 = arith.index_cast %add3A_298 : i32 to index
        %get3A_306 = arith.constant 16 : index
        %get3A_307 = tpu.vector_load %arg11[%get3A_305, %get3A_306] {strides = array<i32>} : memref<128x32xf32, #tpu.memory_space<vmem>>, vector<1x16xf32>,
        %get3A_308 = vector.shape_cast %get3A_307 : vector<1x16xf32> to vector<16xf32>
        %mul3A_309 = vector.broadcast %squeeze3A_304 : f32 to vector<16xf32>
        %mul3A_310 = arith.mulf %mul3A_309, %get3A_308 : vector<16xf32>
        %add3A_311 = arith.addf %get3A_302, %mul3A_310 : vector<16xf32>
        %swap3A_312 = arith.index_cast %add3A_298 : i32 to index
        %swap3A_313 = arith.constant 0 : index
        %swap3A_314 = tpu.vector_load %arg12[%swap3A_312, %swap3A_313] {strides = array<i32>} : memref<128x32xf32, #tpu.memory_space<vmem>>, vector<1x16xf32>,
        %swap3A_315 = vector.shape_cast %swap3A_314 : vector<1x16xf32> to vector<16xf32>
        %swap3A_316 = vector.shape_cast %add3A_311 : vector<16xf32> to vector<1x16xf32>
        tpu.vector_store %arg12[%swap3A_312, %swap3A_313], %swap3A_316 {strides = array<i32>} : memref<128x32xf32, #tpu.memory_space<vmem>>, vector<1x16xf32>,
        %mul3A_317 = arith.constant 16 : i32
        %mul3A_318 = arith.muli %scan3A_47, %mul3A_317 : i32
        %add3A_319 = arith.constant 12 : i32
        %add3A_320 = arith.addi %mul3A_318, %add3A_319 : i32
        %get3A_321 = arith.index_cast %add3A_320 : i32 to index
        %get3A_322 = arith.constant 0 : index
        %get3A_323 = tpu.vector_load %arg11[%get3A_321, %get3A_322] {strides = array<i32>} : memref<128x32xf32, #tpu.memory_space<vmem>>, vector<1x16xf32>,
        %get3A_324 = vector.shape_cast %get3A_323 : vector<1x16xf32> to vector<16xf32>
        %slice3A_325 = vector.extract_strided_slice %min3A_55 {offsets = [12], sizes = [1], strides = [1]} : vector<16xf32> to vector<1xf32>
        %squeeze3A_326 = vector.extract %slice3A_325[0] : f32 from vector<1xf32>
        %get3A_327 = arith.index_cast %add3A_320 : i32 to index
        %get3A_328 = arith.constant 16 : index
        %get3A_329 = tpu.vector_load %arg11[%get3A_327, %get3A_328] {strides = array<i32>} : memref<128x32xf32, #tpu.memory_space<vmem>>, vector<1x16xf32>,
        %get3A_330 = vector.shape_cast %get3A_329 : vector<1x16xf32> to vector<16xf32>
        %mul3A_331 = vector.broadcast %squeeze3A_326 : f32 to vector<16xf32>
        %mul3A_332 = arith.mulf %mul3A_331, %get3A_330 : vector<16xf32>
        %add3A_333 = arith.addf %get3A_324, %mul3A_332 : vector<16xf32>
        %swap3A_334 = arith.index_cast %add3A_320 : i32 to index
        %swap3A_335 = arith.constant 0 : index
        %swap3A_336 = tpu.vector_load %arg12[%swap3A_334, %swap3A_335] {strides = array<i32>} : memref<128x32xf32, #tpu.memory_space<vmem>>, vector<1x16xf32>,
        %swap3A_337 = vector.shape_cast %swap3A_336 : vector<1x16xf32> to vector<16xf32>
        %swap3A_338 = vector.shape_cast %add3A_333 : vector<16xf32> to vector<1x16xf32>
        tpu.vector_store %arg12[%swap3A_334, %swap3A_335], %swap3A_338 {strides = array<i32>} : memref<128x32xf32, #tpu.memory_space<vmem>>, vector<1x16xf32>,
        %mul3A_339 = arith.constant 16 : i32
        %mul3A_340 = arith.muli %scan3A_47, %mul3A_339 : i32
        %add3A_341 = arith.constant 13 : i32
        %add3A_342 = arith.addi %mul3A_340, %add3A_341 : i32
        %get3A_343 = arith.index_cast %add3A_342 : i32 to index
        %get3A_344 = arith.constant 0 : index
        %get3A_345 = tpu.vector_load %arg11[%get3A_343, %get3A_344] {strides = array<i32>} : memref<128x32xf32, #tpu.memory_space<vmem>>, vector<1x16xf32>,
        %get3A_346 = vector.shape_cast %get3A_345 : vector<1x16xf32> to vector<16xf32>
        %slice3A_347 = vector.extract_strided_slice %min3A_55 {offsets = [13], sizes = [1], strides = [1]} : vector<16xf32> to vector<1xf32>
        %squeeze3A_348 = vector.extract %slice3A_347[0] : f32 from vector<1xf32>
        %get3A_349 = arith.index_cast %add3A_342 : i32 to index
        %get3A_350 = arith.constant 16 : index
        %get3A_351 = tpu.vector_load %arg11[%get3A_349, %get3A_350] {strides = array<i32>} : memref<128x32xf32, #tpu.memory_space<vmem>>, vector<1x16xf32>,
        %get3A_352 = vector.shape_cast %get3A_351 : vector<1x16xf32> to vector<16xf32>
        %mul3A_353 = vector.broadcast %squeeze3A_348 : f32 to vector<16xf32>
        %mul3A_354 = arith.mulf %mul3A_353, %get3A_352 : vector<16xf32>
        %add3A_355 = arith.addf %get3A_346, %mul3A_354 : vector<16xf32>
        %swap3A_356 = arith.index_cast %add3A_342 : i32 to index
        %swap3A_357 = arith.constant 0 : index
        %swap3A_358 = tpu.vector_load %arg12[%swap3A_356, %swap3A_357] {strides = array<i32>} : memref<128x32xf32, #tpu.memory_space<vmem>>, vector<1x16xf32>,
        %swap3A_359 = vector.shape_cast %swap3A_358 : vector<1x16xf32> to vector<16xf32>
        %swap3A_360 = vector.shape_cast %add3A_355 : vector<16xf32> to vector<1x16xf32>
        tpu.vector_store %arg12[%swap3A_356, %swap3A_357], %swap3A_360 {strides = array<i32>} : memref<128x32xf32, #tpu.memory_space<vmem>>, vector<1x16xf32>,
        %mul3A_361 = arith.constant 16 : i32
        %mul3A_362 = arith.muli %scan3A_47, %mul3A_361 : i32
        %add3A_363 = arith.constant 14 : i32
        %add3A_364 = arith.addi %mul3A_362, %add3A_363 : i32
        %get3A_365 = arith.index_cast %add3A_364 : i32 to index
        %get3A_366 = arith.constant 0 : index
        %get3A_367 = tpu.vector_load %arg11[%get3A_365, %get3A_366] {strides = array<i32>} : memref<128x32xf32, #tpu.memory_space<vmem>>, vector<1x16xf32>,
        %get3A_368 = vector.shape_cast %get3A_367 : vector<1x16xf32> to vector<16xf32>
        %slice3A_369 = vector.extract_strided_slice %min3A_55 {offsets = [14], sizes = [1], strides = [1]} : vector<16xf32> to vector<1xf32>
        %squeeze3A_370 = vector.extract %slice3A_369[0] : f32 from vector<1xf32>
        %get3A_371 = arith.index_cast %add3A_364 : i32 to index
        %get3A_372 = arith.constant 16 : index
        %get3A_373 = tpu.vector_load %arg11[%get3A_371, %get3A_372] {strides = array<i32>} : memref<128x32xf32, #tpu.memory_space<vmem>>, vector<1x16xf32>,
        %get3A_374 = vector.shape_cast %get3A_373 : vector<1x16xf32> to vector<16xf32>
        %mul3A_375 = vector.broadcast %squeeze3A_370 : f32 to vector<16xf32>
        %mul3A_376 = arith.mulf %mul3A_375, %get3A_374 : vector<16xf32>
        %add3A_377 = arith.addf %get3A_368, %mul3A_376 : vector<16xf32>
        %swap3A_378 = arith.index_cast %add3A_364 : i32 to index
        %swap3A_379 = arith.constant 0 : index
        %swap3A_380 = tpu.vector_load %arg12[%swap3A_378, %swap3A_379] {strides = array<i32>} : memref<128x32xf32, #tpu.memory_space<vmem>>, vector<1x16xf32>,
        %swap3A_381 = vector.shape_cast %swap3A_380 : vector<1x16xf32> to vector<16xf32>
        %swap3A_382 = vector.shape_cast %add3A_377 : vector<16xf32> to vector<1x16xf32>
        tpu.vector_store %arg12[%swap3A_378, %swap3A_379], %swap3A_382 {strides = array<i32>} : memref<128x32xf32, #tpu.memory_space<vmem>>, vector<1x16xf32>,
        %mul3A_383 = arith.constant 16 : i32
        %mul3A_384 = arith.muli %scan3A_47, %mul3A_383 : i32
        %add3A_385 = arith.constant 15 : i32
        %add3A_386 = arith.addi %mul3A_384, %add3A_385 : i32
        %get3A_387 = arith.index_cast %add3A_386 : i32 to index
        %get3A_388 = arith.constant 0 : index
        %get3A_389 = tpu.vector_load %arg11[%get3A_387, %get3A_388] {strides = array<i32>} : memref<128x32xf32, #tpu.memory_space<vmem>>, vector<1x16xf32>,
        %get3A_390 = vector.shape_cast %get3A_389 : vector<1x16xf32> to vector<16xf32>
        %slice3A_391 = vector.extract_strided_slice %min3A_55 {offsets = [15], sizes = [1], strides = [1]} : vector<16xf32> to vector<1xf32>
        %squeeze3A_392 = vector.extract %slice3A_391[0] : f32 from vector<1xf32>
        %get3A_393 = arith.index_cast %add3A_386 : i32 to index
        %get3A_394 = arith.constant 16 : index
        %get3A_395 = tpu.vector_load %arg11[%get3A_393, %get3A_394] {strides = array<i32>} : memref<128x32xf32, #tpu.memory_space<vmem>>, vector<1x16xf32>,
        %get3A_396 = vector.shape_cast %get3A_395 : vector<1x16xf32> to vector<16xf32>
        %mul3A_397 = vector.broadcast %squeeze3A_392 : f32 to vector<16xf32>
        %mul3A_398 = arith.mulf %mul3A_397, %get3A_396 : vector<16xf32>
        %add3A_399 = arith.addf %get3A_390, %mul3A_398 : vector<16xf32>
        %swap3A_400 = arith.index_cast %add3A_386 : i32 to index
        %swap3A_401 = arith.constant 0 : index
        %swap3A_402 = tpu.vector_load %arg12[%swap3A_400, %swap3A_401] {strides = array<i32>} : memref<128x32xf32, #tpu.memory_space<vmem>>, vector<1x16xf32>,
        %swap3A_403 = vector.shape_cast %swap3A_402 : vector<1x16xf32> to vector<16xf32>
        %swap3A_404 = vector.shape_cast %add3A_399 : vector<16xf32> to vector<1x16xf32>
        tpu.vector_store %arg12[%swap3A_400, %swap3A_401], %swap3A_404 {strides = array<i32>} : memref<128x32xf32, #tpu.memory_space<vmem>>, vector<1x16xf32>,
      }
      %scan3A_46 = arith.constant 8 : i32
      "tpu.region"() ({
        %run_scoped3A = tpu.sem_alloc : memref<!tpu.dma_semaphore, #tpu.memory_space<semaphore_mem>>
        %dma_start3A_47 = arith.constant 0 : i32
        %dma_start3A_48 = arith.constant 0 : i32
        %dma_start3A_49 = tpu.memref_slice %arg7[%dma_start3A_47, %dma_start3A_48] : memref<10112x32xf32, #tpu.memory_space<vmem_shared>> -> memref<10112x32xf32, #tpu.memory_space<vmem_shared>>
        tpu.enqueue_indirect_dma source(%arg12 : memref<128x32xf32, #tpu.memory_space<vmem>>) target(%dma_start3A_49 : memref<10112x32xf32, #tpu.memory_space<vmem_shared>>) offsets(%arg9 : memref<128xi32, #tpu.memory_space<vmem>>) semaphore(%run_scoped3A : memref<!tpu.dma_semaphore, #tpu.memory_space<semaphore_mem>>) {add = true}
        %dma_wait3A_50 = arith.constant 0 : i32
        %dma_wait3A_51 = arith.constant 0 : i32
        %dma_wait3A_52 = tpu.memref_slice %arg7[%dma_wait3A_50, %dma_wait3A_51] : memref<10112x32xf32, #tpu.memory_space<vmem_shared>> -> memref<10112x32xf32, #tpu.memory_space<vmem_shared>>
        tpu.wait_indirect_dma semaphore(%run_scoped3A : memref<!tpu.dma_semaphore, #tpu.memory_space<semaphore_mem>>) src(%arg12 : memref<128x32xf32, #tpu.memory_space<vmem>>) dst(%dma_wait3A_52 : memref<10112x32xf32, #tpu.memory_space<vmem_shared>>)
        tpu.yield
      }) : () -> ()
    }
    %scan3A_27 = arith.constant 79 : i32
    %barrier3A_28 = arith.constant 0 : index
    tpu.barrier barrier_id(%barrier3A_28)
    %mul3A_29 = arith.constant 632 : i32
    %mul3A_30 = arith.muli %arg1, %mul3A_29 : i32
    %mul3A_31 = arith.constant 632 : i32
    %mul3A_32 = arith.muli %arg1, %mul3A_31 : i32
    "tpu.region"() ({
      %run_scoped3A = tpu.sem_alloc : memref<!tpu.dma_semaphore, #tpu.memory_space<semaphore_mem>>
      %dma_start3A = arith.constant 0 : i32
      %dma_start3A_33 = tpu.memref_slice %arg6[%arg0, %mul3A_32, %dma_start3A] : memref<2x10112x32xf32, #tpu.memory_space<hbm>> -> memref<1x632x32xf32, #tpu.memory_space<hbm>>
      %dma_start3A_34 = tpu.memref_squeeze %dma_start3A_33 : memref<1x632x32xf32, #tpu.memory_space<hbm>> -> memref<632x32xf32, #tpu.memory_space<hbm>>
      %dma_start3A_35 = arith.constant 0 : i32
      %dma_start3A_36 = tpu.memref_slice %arg7[%mul3A_30, %dma_start3A_35] : memref<10112x32xf32, #tpu.memory_space<vmem_shared>> -> memref<632x32xf32, #tpu.memory_space<vmem_shared>>
      tpu.enqueue_dma source(%dma_start3A_36 : memref<632x32xf32, #tpu.memory_space<vmem_shared>>) target(%dma_start3A_34 : memref<632x32xf32, #tpu.memory_space<hbm>>) target_semaphore(%run_scoped3A : memref<!tpu.dma_semaphore, #tpu.memory_space<semaphore_mem>>)
      %dma_wait3A = arith.constant 0 : i32
      %dma_wait3A_37 = tpu.memref_slice %arg6[%arg0, %mul3A_32, %dma_wait3A] : memref<2x10112x32xf32, #tpu.memory_space<hbm>> -> memref<1x632x32xf32, #tpu.memory_space<hbm>>
      %dma_wait3A_38 = tpu.memref_squeeze %dma_wait3A_37 : memref<1x632x32xf32, #tpu.memory_space<hbm>> -> memref<632x32xf32, #tpu.memory_space<hbm>>
      %dma_wait3A_39 = arith.constant 0 : i32
      %dma_wait3A_40 = tpu.memref_slice %arg7[%mul3A_30, %dma_wait3A_39] : memref<10112x32xf32, #tpu.memory_space<vmem_shared>> -> memref<632x32xf32, #tpu.memory_space<vmem_shared>>
      tpu.wait_dma2 semaphore(%run_scoped3A : memref<!tpu.dma_semaphore, #tpu.memory_space<semaphore_mem>>) src(%dma_wait3A_40 : memref<632x32xf32, #tpu.memory_space<vmem_shared>>) dst(%dma_wait3A_38 : memref<632x32xf32, #tpu.memory_space<hbm>>)
      tpu.yield
    }) : () -> ()
    return
  }
}

#map = affine_map<(d0, d1) -> (0, 0)>
#map1 = affine_map<(d0, d1) -> (0)>
#map2 = affine_map<(d0, d1) -> (0, 0, 0)>
module attributes {stable_mosaic.version = 14 : i64} {
  func.func @edge_pass(%arg0: i32, %arg1: i32, %arg2: memref<10000x32xf32, #tpu.memory_space<hbm>>, %arg3: memref<323584xi32, #tpu.memory_space<hbm>>, %arg4: memref<323584xi32, #tpu.memory_space<hbm>>, %arg5: memref<323584xf32, #tpu.memory_space<hbm>>, %arg6: memref<2x10112x16xf32, #tpu.memory_space<hbm>>, %arg7: memref<10112x16xf32, #tpu.memory_space<vmem_shared>>, %arg8: memref<128xi32, #tpu.memory_space<vmem>>, %arg9: memref<128xi32, #tpu.memory_space<vmem>>, %arg10: memref<128xf32, #tpu.memory_space<vmem>>, %arg11: memref<128x32xf32, #tpu.memory_space<vmem>>, %arg12: memref<128x16xf32, #tpu.memory_space<vmem>>, %arg13: memref<632x16xf32, #tpu.memory_space<vmem>>, %arg14: memref<!tpu.dma_semaphore, #tpu.memory_space<semaphore_mem>>) attributes {dimension_semantics = [#tpu.dimension_semantics<core_parallel>, #tpu.dimension_semantics<subcore_parallel>], iteration_bounds = array<i64: 2, 16>, scalar_prefetch = 0 : i64, scratch_operands = 8 : i64, tpu.core_type = #tpu.core_type<sc_vector_subcore>, window_params = [{transform_indices = #map}, {transform_indices = #map1}, {transform_indices = #map1}, {transform_indices = #map1}, {transform_indices = #map2}]} {
    %mul3A = arith.constant 16 : i32
    %mul3A_0 = arith.muli %arg0, %mul3A : i32
    %add3A = arith.addi %mul3A_0, %arg1 : i32
    %broadcast_in_dim3A = arith.constant 0.000000e+00 : f32
    %broadcast_in_dim3A_1 = vector.broadcast %broadcast_in_dim3A : f32 to vector<16xf32>
    %scan3A = arith.constant 0 : i32
    %scan3A_2 = arith.constant 0 : i32
    %scan3A_3 = arith.constant 632 : i32
    %scan3A_4 = arith.addi %scan3A_2, %scan3A_3 : i32
    %scan3A_5 = arith.constant 1 : i32
    scf.for %scan3A_22 = %scan3A_2 to %scan3A_4 step %scan3A_5  : i32 {
      %swap3A = arith.index_cast %scan3A_22 : i32 to index
      %swap3A_23 = arith.constant 0 : index
      %swap3A_24 = tpu.vector_load %arg13[%swap3A, %swap3A_23] {strides = array<i32>} : memref<632x16xf32, #tpu.memory_space<vmem>>, vector<1x16xf32>,
      %swap3A_25 = vector.shape_cast %swap3A_24 : vector<1x16xf32> to vector<16xf32>
      %swap3A_26 = vector.shape_cast %broadcast_in_dim3A_1 : vector<16xf32> to vector<1x16xf32>
      tpu.vector_store %arg13[%swap3A, %swap3A_23], %swap3A_26 {strides = array<i32>} : memref<632x16xf32, #tpu.memory_space<vmem>>, vector<1x16xf32>,
    }
    %scan3A_6 = arith.constant 632 : i32
    %mul3A_7 = arith.constant 632 : i32
    %mul3A_8 = arith.muli %arg1, %mul3A_7 : i32
    "tpu.region"() ({
      %run_scoped3A = tpu.sem_alloc : memref<!tpu.dma_semaphore, #tpu.memory_space<semaphore_mem>>
      %dma_start3A = arith.constant 0 : i32
      %dma_start3A_22 = tpu.memref_slice %arg7[%mul3A_8, %dma_start3A] : memref<10112x16xf32, #tpu.memory_space<vmem_shared>> -> memref<632x16xf32, #tpu.memory_space<vmem_shared>>
      %dma_start3A_23 = arith.constant 0 : i32
      %dma_start3A_24 = tpu.memref_slice %arg7[%mul3A_8, %dma_start3A_23] : memref<10112x16xf32, #tpu.memory_space<vmem_shared>> -> memref<632x16xf32, #tpu.memory_space<vmem_shared>>
      tpu.enqueue_dma source(%arg13 : memref<632x16xf32, #tpu.memory_space<vmem>>) target(%dma_start3A_24 : memref<632x16xf32, #tpu.memory_space<vmem_shared>>) target_semaphore(%run_scoped3A : memref<!tpu.dma_semaphore, #tpu.memory_space<semaphore_mem>>)
      %dma_wait3A = arith.constant 0 : i32
      %dma_wait3A_25 = tpu.memref_slice %arg7[%mul3A_8, %dma_wait3A] : memref<10112x16xf32, #tpu.memory_space<vmem_shared>> -> memref<632x16xf32, #tpu.memory_space<vmem_shared>>
      %dma_wait3A_26 = arith.constant 0 : i32
      %dma_wait3A_27 = tpu.memref_slice %arg7[%mul3A_8, %dma_wait3A_26] : memref<10112x16xf32, #tpu.memory_space<vmem_shared>> -> memref<632x16xf32, #tpu.memory_space<vmem_shared>>
      tpu.wait_dma2 semaphore(%run_scoped3A : memref<!tpu.dma_semaphore, #tpu.memory_space<semaphore_mem>>) src(%arg13 : memref<632x16xf32, #tpu.memory_space<vmem>>) dst(%dma_wait3A_27 : memref<632x16xf32, #tpu.memory_space<vmem_shared>>)
      tpu.yield
    }) : () -> ()
    %barrier3A = arith.constant 0 : index
    tpu.barrier barrier_id(%barrier3A)
    %mul3A_9 = arith.constant 10112 : i32
    %mul3A_10 = arith.muli %add3A, %mul3A_9 : i32
    %scan3A_11 = arith.constant 0 : i32
    %scan3A_12 = arith.constant 0 : i32
    %scan3A_13 = arith.constant 79 : i32
    %scan3A_14 = arith.addi %scan3A_12, %scan3A_13 : i32
    %scan3A_15 = arith.constant 1 : i32
    scf.for %scan3A_22 = %scan3A_12 to %scan3A_14 step %scan3A_15  : i32 {
      %mul3A_23 = arith.constant 128 : i32
      %mul3A_24 = arith.muli %scan3A_22, %mul3A_23 : i32
      %add3A_25 = arith.addi %mul3A_10, %mul3A_24 : i32
      "tpu.region"() ({
        %run_scoped3A = tpu.sem_alloc : memref<!tpu.dma_semaphore, #tpu.memory_space<semaphore_mem>>
        %dma_start3A_36 = tpu.memref_slice %arg3[%add3A_25] : memref<323584xi32, #tpu.memory_space<hbm>> -> memref<128xi32, #tpu.memory_space<hbm>>
        %dma_start3A_37 = tpu.memref_slice %arg3[%add3A_25] : memref<323584xi32, #tpu.memory_space<hbm>> -> memref<128xi32, #tpu.memory_space<hbm>>
        tpu.enqueue_dma source(%dma_start3A_37 : memref<128xi32, #tpu.memory_space<hbm>>) target(%arg8 : memref<128xi32, #tpu.memory_space<vmem>>) target_semaphore(%run_scoped3A : memref<!tpu.dma_semaphore, #tpu.memory_space<semaphore_mem>>)
        %dma_wait3A_38 = tpu.memref_slice %arg3[%add3A_25] : memref<323584xi32, #tpu.memory_space<hbm>> -> memref<128xi32, #tpu.memory_space<hbm>>
        %dma_wait3A_39 = tpu.memref_slice %arg3[%add3A_25] : memref<323584xi32, #tpu.memory_space<hbm>> -> memref<128xi32, #tpu.memory_space<hbm>>
        tpu.wait_dma2 semaphore(%run_scoped3A : memref<!tpu.dma_semaphore, #tpu.memory_space<semaphore_mem>>) src(%dma_wait3A_39 : memref<128xi32, #tpu.memory_space<hbm>>) dst(%arg8 : memref<128xi32, #tpu.memory_space<vmem>>)
        tpu.yield
      }) : () -> ()
      "tpu.region"() ({
        %run_scoped3A = tpu.sem_alloc : memref<!tpu.dma_semaphore, #tpu.memory_space<semaphore_mem>>
        %dma_start3A_36 = tpu.memref_slice %arg4[%add3A_25] : memref<323584xi32, #tpu.memory_space<hbm>> -> memref<128xi32, #tpu.memory_space<hbm>>
        %dma_start3A_37 = tpu.memref_slice %arg4[%add3A_25] : memref<323584xi32, #tpu.memory_space<hbm>> -> memref<128xi32, #tpu.memory_space<hbm>>
        tpu.enqueue_dma source(%dma_start3A_37 : memref<128xi32, #tpu.memory_space<hbm>>) target(%arg9 : memref<128xi32, #tpu.memory_space<vmem>>) target_semaphore(%run_scoped3A : memref<!tpu.dma_semaphore, #tpu.memory_space<semaphore_mem>>)
        %dma_wait3A_38 = tpu.memref_slice %arg4[%add3A_25] : memref<323584xi32, #tpu.memory_space<hbm>> -> memref<128xi32, #tpu.memory_space<hbm>>
        %dma_wait3A_39 = tpu.memref_slice %arg4[%add3A_25] : memref<323584xi32, #tpu.memory_space<hbm>> -> memref<128xi32, #tpu.memory_space<hbm>>
        tpu.wait_dma2 semaphore(%run_scoped3A : memref<!tpu.dma_semaphore, #tpu.memory_space<semaphore_mem>>) src(%dma_wait3A_39 : memref<128xi32, #tpu.memory_space<hbm>>) dst(%arg9 : memref<128xi32, #tpu.memory_space<vmem>>)
        tpu.yield
      }) : () -> ()
      "tpu.region"() ({
        %run_scoped3A = tpu.sem_alloc : memref<!tpu.dma_semaphore, #tpu.memory_space<semaphore_mem>>
        %dma_start3A_36 = tpu.memref_slice %arg5[%add3A_25] : memref<323584xf32, #tpu.memory_space<hbm>> -> memref<128xf32, #tpu.memory_space<hbm>>
        %dma_start3A_37 = tpu.memref_slice %arg5[%add3A_25] : memref<323584xf32, #tpu.memory_space<hbm>> -> memref<128xf32, #tpu.memory_space<hbm>>
        tpu.enqueue_dma source(%dma_start3A_37 : memref<128xf32, #tpu.memory_space<hbm>>) target(%arg10 : memref<128xf32, #tpu.memory_space<vmem>>) target_semaphore(%run_scoped3A : memref<!tpu.dma_semaphore, #tpu.memory_space<semaphore_mem>>)
        %dma_wait3A_38 = tpu.memref_slice %arg5[%add3A_25] : memref<323584xf32, #tpu.memory_space<hbm>> -> memref<128xf32, #tpu.memory_space<hbm>>
        %dma_wait3A_39 = tpu.memref_slice %arg5[%add3A_25] : memref<323584xf32, #tpu.memory_space<hbm>> -> memref<128xf32, #tpu.memory_space<hbm>>
        tpu.wait_dma2 semaphore(%run_scoped3A : memref<!tpu.dma_semaphore, #tpu.memory_space<semaphore_mem>>) src(%dma_wait3A_39 : memref<128xf32, #tpu.memory_space<hbm>>) dst(%arg10 : memref<128xf32, #tpu.memory_space<vmem>>)
        tpu.yield
      }) : () -> ()
      %dma_start3A = arith.constant 0 : i32
      %dma_start3A_26 = arith.constant 0 : i32
      %dma_start3A_27 = tpu.memref_slice %arg2[%dma_start3A, %dma_start3A_26] : memref<10000x32xf32, #tpu.memory_space<hbm>> -> memref<10000x32xf32, #tpu.memory_space<hbm>>
      tpu.enqueue_indirect_dma source(%dma_start3A_27 : memref<10000x32xf32, #tpu.memory_space<hbm>>) target(%arg11 : memref<128x32xf32, #tpu.memory_space<vmem>>) offsets(%arg8 : memref<128xi32, #tpu.memory_space<vmem>>) semaphore(%arg14 : memref<!tpu.dma_semaphore, #tpu.memory_space<semaphore_mem>>)
      %dma_wait3A = arith.constant 0 : i32
      %dma_wait3A_28 = arith.constant 0 : i32
      %dma_wait3A_29 = tpu.memref_slice %arg2[%dma_wait3A, %dma_wait3A_28] : memref<10000x32xf32, #tpu.memory_space<hbm>> -> memref<10000x32xf32, #tpu.memory_space<hbm>>
      tpu.wait_indirect_dma semaphore(%arg14 : memref<!tpu.dma_semaphore, #tpu.memory_space<semaphore_mem>>) src(%dma_wait3A_29 : memref<10000x32xf32, #tpu.memory_space<hbm>>) dst(%arg11 : memref<128x32xf32, #tpu.memory_space<vmem>>)
      %scan3A_30 = arith.constant 0 : i32
      %scan3A_31 = arith.constant 0 : i32
      %scan3A_32 = arith.constant 8 : i32
      %scan3A_33 = arith.addi %scan3A_31, %scan3A_32 : i32
      %scan3A_34 = arith.constant 1 : i32
      scf.for %scan3A_36 = %scan3A_31 to %scan3A_33 step %scan3A_34  : i32 {
        %mul3A_37 = arith.constant 16 : i32
        %mul3A_38 = arith.muli %scan3A_36, %mul3A_37 : i32
        %get3A = arith.index_cast %mul3A_38 : i32 to index
        %get3A_39 = tpu.vector_load %arg10[%get3A] {strides = array<i32>} : memref<128xf32, #tpu.memory_space<vmem>>, vector<16xf32>,
        %get3A_40 = vector.shape_cast %get3A_39 : vector<16xf32> to vector<16xf32>
        %jit3A = arith.constant 0.000000e+00 : f32
        %jit3A_41 = arith.constant 1.000000e+00 : f32
        %max3A = vector.broadcast %jit3A : f32 to vector<16xf32>
        %max3A_42 = arith.maximumf %max3A, %get3A_40 : vector<16xf32>
        %min3A = vector.broadcast %jit3A_41 : f32 to vector<16xf32>
        %min3A_43 = arith.minimumf %min3A, %max3A_42 : vector<16xf32>
        %mul3A_44 = arith.constant 16 : i32
        %mul3A_45 = arith.muli %scan3A_36, %mul3A_44 : i32
        %add3A_46 = arith.constant 0 : i32
        %add3A_47 = arith.addi %mul3A_45, %add3A_46 : i32
        %get3A_48 = arith.index_cast %add3A_47 : i32 to index
        %get3A_49 = arith.constant 0 : index
        %get3A_50 = tpu.vector_load %arg11[%get3A_48, %get3A_49] {strides = array<i32>} : memref<128x32xf32, #tpu.memory_space<vmem>>, vector<1x16xf32>,
        %get3A_51 = vector.shape_cast %get3A_50 : vector<1x16xf32> to vector<16xf32>
        %slice3A = vector.extract_strided_slice %min3A_43 {offsets = [0], sizes = [1], strides = [1]} : vector<16xf32> to vector<1xf32>
        %squeeze3A = vector.extract %slice3A[0] : f32 from vector<1xf32>
        %get3A_52 = arith.index_cast %add3A_47 : i32 to index
        %get3A_53 = arith.constant 16 : index
        %get3A_54 = tpu.vector_load %arg11[%get3A_52, %get3A_53] {strides = array<i32>} : memref<128x32xf32, #tpu.memory_space<vmem>>, vector<1x16xf32>,
        %get3A_55 = vector.shape_cast %get3A_54 : vector<1x16xf32> to vector<16xf32>
        %mul3A_56 = vector.broadcast %squeeze3A : f32 to vector<16xf32>
        %mul3A_57 = arith.mulf %mul3A_56, %get3A_55 : vector<16xf32>
        %add3A_58 = arith.addf %get3A_51, %mul3A_57 : vector<16xf32>
        %swap3A = arith.index_cast %add3A_47 : i32 to index
        %swap3A_59 = arith.constant 0 : index
        %swap3A_60 = tpu.vector_load %arg12[%swap3A, %swap3A_59] {strides = array<i32>} : memref<128x16xf32, #tpu.memory_space<vmem>>, vector<1x16xf32>,
        %swap3A_61 = vector.shape_cast %swap3A_60 : vector<1x16xf32> to vector<16xf32>
        %swap3A_62 = vector.shape_cast %add3A_58 : vector<16xf32> to vector<1x16xf32>
        tpu.vector_store %arg12[%swap3A, %swap3A_59], %swap3A_62 {strides = array<i32>} : memref<128x16xf32, #tpu.memory_space<vmem>>, vector<1x16xf32>,
        %mul3A_63 = arith.constant 16 : i32
        %mul3A_64 = arith.muli %scan3A_36, %mul3A_63 : i32
        %add3A_65 = arith.constant 1 : i32
        %add3A_66 = arith.addi %mul3A_64, %add3A_65 : i32
        %get3A_67 = arith.index_cast %add3A_66 : i32 to index
        %get3A_68 = arith.constant 0 : index
        %get3A_69 = tpu.vector_load %arg11[%get3A_67, %get3A_68] {strides = array<i32>} : memref<128x32xf32, #tpu.memory_space<vmem>>, vector<1x16xf32>,
        %get3A_70 = vector.shape_cast %get3A_69 : vector<1x16xf32> to vector<16xf32>
        %slice3A_71 = vector.extract_strided_slice %min3A_43 {offsets = [1], sizes = [1], strides = [1]} : vector<16xf32> to vector<1xf32>
        %squeeze3A_72 = vector.extract %slice3A_71[0] : f32 from vector<1xf32>
        %get3A_73 = arith.index_cast %add3A_66 : i32 to index
        %get3A_74 = arith.constant 16 : index
        %get3A_75 = tpu.vector_load %arg11[%get3A_73, %get3A_74] {strides = array<i32>} : memref<128x32xf32, #tpu.memory_space<vmem>>, vector<1x16xf32>,
        %get3A_76 = vector.shape_cast %get3A_75 : vector<1x16xf32> to vector<16xf32>
        %mul3A_77 = vector.broadcast %squeeze3A_72 : f32 to vector<16xf32>
        %mul3A_78 = arith.mulf %mul3A_77, %get3A_76 : vector<16xf32>
        %add3A_79 = arith.addf %get3A_70, %mul3A_78 : vector<16xf32>
        %swap3A_80 = arith.index_cast %add3A_66 : i32 to index
        %swap3A_81 = arith.constant 0 : index
        %swap3A_82 = tpu.vector_load %arg12[%swap3A_80, %swap3A_81] {strides = array<i32>} : memref<128x16xf32, #tpu.memory_space<vmem>>, vector<1x16xf32>,
        %swap3A_83 = vector.shape_cast %swap3A_82 : vector<1x16xf32> to vector<16xf32>
        %swap3A_84 = vector.shape_cast %add3A_79 : vector<16xf32> to vector<1x16xf32>
        tpu.vector_store %arg12[%swap3A_80, %swap3A_81], %swap3A_84 {strides = array<i32>} : memref<128x16xf32, #tpu.memory_space<vmem>>, vector<1x16xf32>,
        %mul3A_85 = arith.constant 16 : i32
        %mul3A_86 = arith.muli %scan3A_36, %mul3A_85 : i32
        %add3A_87 = arith.constant 2 : i32
        %add3A_88 = arith.addi %mul3A_86, %add3A_87 : i32
        %get3A_89 = arith.index_cast %add3A_88 : i32 to index
        %get3A_90 = arith.constant 0 : index
        %get3A_91 = tpu.vector_load %arg11[%get3A_89, %get3A_90] {strides = array<i32>} : memref<128x32xf32, #tpu.memory_space<vmem>>, vector<1x16xf32>,
        %get3A_92 = vector.shape_cast %get3A_91 : vector<1x16xf32> to vector<16xf32>
        %slice3A_93 = vector.extract_strided_slice %min3A_43 {offsets = [2], sizes = [1], strides = [1]} : vector<16xf32> to vector<1xf32>
        %squeeze3A_94 = vector.extract %slice3A_93[0] : f32 from vector<1xf32>
        %get3A_95 = arith.index_cast %add3A_88 : i32 to index
        %get3A_96 = arith.constant 16 : index
        %get3A_97 = tpu.vector_load %arg11[%get3A_95, %get3A_96] {strides = array<i32>} : memref<128x32xf32, #tpu.memory_space<vmem>>, vector<1x16xf32>,
        %get3A_98 = vector.shape_cast %get3A_97 : vector<1x16xf32> to vector<16xf32>
        %mul3A_99 = vector.broadcast %squeeze3A_94 : f32 to vector<16xf32>
        %mul3A_100 = arith.mulf %mul3A_99, %get3A_98 : vector<16xf32>
        %add3A_101 = arith.addf %get3A_92, %mul3A_100 : vector<16xf32>
        %swap3A_102 = arith.index_cast %add3A_88 : i32 to index
        %swap3A_103 = arith.constant 0 : index
        %swap3A_104 = tpu.vector_load %arg12[%swap3A_102, %swap3A_103] {strides = array<i32>} : memref<128x16xf32, #tpu.memory_space<vmem>>, vector<1x16xf32>,
        %swap3A_105 = vector.shape_cast %swap3A_104 : vector<1x16xf32> to vector<16xf32>
        %swap3A_106 = vector.shape_cast %add3A_101 : vector<16xf32> to vector<1x16xf32>
        tpu.vector_store %arg12[%swap3A_102, %swap3A_103], %swap3A_106 {strides = array<i32>} : memref<128x16xf32, #tpu.memory_space<vmem>>, vector<1x16xf32>,
        %mul3A_107 = arith.constant 16 : i32
        %mul3A_108 = arith.muli %scan3A_36, %mul3A_107 : i32
        %add3A_109 = arith.constant 3 : i32
        %add3A_110 = arith.addi %mul3A_108, %add3A_109 : i32
        %get3A_111 = arith.index_cast %add3A_110 : i32 to index
        %get3A_112 = arith.constant 0 : index
        %get3A_113 = tpu.vector_load %arg11[%get3A_111, %get3A_112] {strides = array<i32>} : memref<128x32xf32, #tpu.memory_space<vmem>>, vector<1x16xf32>,
        %get3A_114 = vector.shape_cast %get3A_113 : vector<1x16xf32> to vector<16xf32>
        %slice3A_115 = vector.extract_strided_slice %min3A_43 {offsets = [3], sizes = [1], strides = [1]} : vector<16xf32> to vector<1xf32>
        %squeeze3A_116 = vector.extract %slice3A_115[0] : f32 from vector<1xf32>
        %get3A_117 = arith.index_cast %add3A_110 : i32 to index
        %get3A_118 = arith.constant 16 : index
        %get3A_119 = tpu.vector_load %arg11[%get3A_117, %get3A_118] {strides = array<i32>} : memref<128x32xf32, #tpu.memory_space<vmem>>, vector<1x16xf32>,
        %get3A_120 = vector.shape_cast %get3A_119 : vector<1x16xf32> to vector<16xf32>
        %mul3A_121 = vector.broadcast %squeeze3A_116 : f32 to vector<16xf32>
        %mul3A_122 = arith.mulf %mul3A_121, %get3A_120 : vector<16xf32>
        %add3A_123 = arith.addf %get3A_114, %mul3A_122 : vector<16xf32>
        %swap3A_124 = arith.index_cast %add3A_110 : i32 to index
        %swap3A_125 = arith.constant 0 : index
        %swap3A_126 = tpu.vector_load %arg12[%swap3A_124, %swap3A_125] {strides = array<i32>} : memref<128x16xf32, #tpu.memory_space<vmem>>, vector<1x16xf32>,
        %swap3A_127 = vector.shape_cast %swap3A_126 : vector<1x16xf32> to vector<16xf32>
        %swap3A_128 = vector.shape_cast %add3A_123 : vector<16xf32> to vector<1x16xf32>
        tpu.vector_store %arg12[%swap3A_124, %swap3A_125], %swap3A_128 {strides = array<i32>} : memref<128x16xf32, #tpu.memory_space<vmem>>, vector<1x16xf32>,
        %mul3A_129 = arith.constant 16 : i32
        %mul3A_130 = arith.muli %scan3A_36, %mul3A_129 : i32
        %add3A_131 = arith.constant 4 : i32
        %add3A_132 = arith.addi %mul3A_130, %add3A_131 : i32
        %get3A_133 = arith.index_cast %add3A_132 : i32 to index
        %get3A_134 = arith.constant 0 : index
        %get3A_135 = tpu.vector_load %arg11[%get3A_133, %get3A_134] {strides = array<i32>} : memref<128x32xf32, #tpu.memory_space<vmem>>, vector<1x16xf32>,
        %get3A_136 = vector.shape_cast %get3A_135 : vector<1x16xf32> to vector<16xf32>
        %slice3A_137 = vector.extract_strided_slice %min3A_43 {offsets = [4], sizes = [1], strides = [1]} : vector<16xf32> to vector<1xf32>
        %squeeze3A_138 = vector.extract %slice3A_137[0] : f32 from vector<1xf32>
        %get3A_139 = arith.index_cast %add3A_132 : i32 to index
        %get3A_140 = arith.constant 16 : index
        %get3A_141 = tpu.vector_load %arg11[%get3A_139, %get3A_140] {strides = array<i32>} : memref<128x32xf32, #tpu.memory_space<vmem>>, vector<1x16xf32>,
        %get3A_142 = vector.shape_cast %get3A_141 : vector<1x16xf32> to vector<16xf32>
        %mul3A_143 = vector.broadcast %squeeze3A_138 : f32 to vector<16xf32>
        %mul3A_144 = arith.mulf %mul3A_143, %get3A_142 : vector<16xf32>
        %add3A_145 = arith.addf %get3A_136, %mul3A_144 : vector<16xf32>
        %swap3A_146 = arith.index_cast %add3A_132 : i32 to index
        %swap3A_147 = arith.constant 0 : index
        %swap3A_148 = tpu.vector_load %arg12[%swap3A_146, %swap3A_147] {strides = array<i32>} : memref<128x16xf32, #tpu.memory_space<vmem>>, vector<1x16xf32>,
        %swap3A_149 = vector.shape_cast %swap3A_148 : vector<1x16xf32> to vector<16xf32>
        %swap3A_150 = vector.shape_cast %add3A_145 : vector<16xf32> to vector<1x16xf32>
        tpu.vector_store %arg12[%swap3A_146, %swap3A_147], %swap3A_150 {strides = array<i32>} : memref<128x16xf32, #tpu.memory_space<vmem>>, vector<1x16xf32>,
        %mul3A_151 = arith.constant 16 : i32
        %mul3A_152 = arith.muli %scan3A_36, %mul3A_151 : i32
        %add3A_153 = arith.constant 5 : i32
        %add3A_154 = arith.addi %mul3A_152, %add3A_153 : i32
        %get3A_155 = arith.index_cast %add3A_154 : i32 to index
        %get3A_156 = arith.constant 0 : index
        %get3A_157 = tpu.vector_load %arg11[%get3A_155, %get3A_156] {strides = array<i32>} : memref<128x32xf32, #tpu.memory_space<vmem>>, vector<1x16xf32>,
        %get3A_158 = vector.shape_cast %get3A_157 : vector<1x16xf32> to vector<16xf32>
        %slice3A_159 = vector.extract_strided_slice %min3A_43 {offsets = [5], sizes = [1], strides = [1]} : vector<16xf32> to vector<1xf32>
        %squeeze3A_160 = vector.extract %slice3A_159[0] : f32 from vector<1xf32>
        %get3A_161 = arith.index_cast %add3A_154 : i32 to index
        %get3A_162 = arith.constant 16 : index
        %get3A_163 = tpu.vector_load %arg11[%get3A_161, %get3A_162] {strides = array<i32>} : memref<128x32xf32, #tpu.memory_space<vmem>>, vector<1x16xf32>,
        %get3A_164 = vector.shape_cast %get3A_163 : vector<1x16xf32> to vector<16xf32>
        %mul3A_165 = vector.broadcast %squeeze3A_160 : f32 to vector<16xf32>
        %mul3A_166 = arith.mulf %mul3A_165, %get3A_164 : vector<16xf32>
        %add3A_167 = arith.addf %get3A_158, %mul3A_166 : vector<16xf32>
        %swap3A_168 = arith.index_cast %add3A_154 : i32 to index
        %swap3A_169 = arith.constant 0 : index
        %swap3A_170 = tpu.vector_load %arg12[%swap3A_168, %swap3A_169] {strides = array<i32>} : memref<128x16xf32, #tpu.memory_space<vmem>>, vector<1x16xf32>,
        %swap3A_171 = vector.shape_cast %swap3A_170 : vector<1x16xf32> to vector<16xf32>
        %swap3A_172 = vector.shape_cast %add3A_167 : vector<16xf32> to vector<1x16xf32>
        tpu.vector_store %arg12[%swap3A_168, %swap3A_169], %swap3A_172 {strides = array<i32>} : memref<128x16xf32, #tpu.memory_space<vmem>>, vector<1x16xf32>,
        %mul3A_173 = arith.constant 16 : i32
        %mul3A_174 = arith.muli %scan3A_36, %mul3A_173 : i32
        %add3A_175 = arith.constant 6 : i32
        %add3A_176 = arith.addi %mul3A_174, %add3A_175 : i32
        %get3A_177 = arith.index_cast %add3A_176 : i32 to index
        %get3A_178 = arith.constant 0 : index
        %get3A_179 = tpu.vector_load %arg11[%get3A_177, %get3A_178] {strides = array<i32>} : memref<128x32xf32, #tpu.memory_space<vmem>>, vector<1x16xf32>,
        %get3A_180 = vector.shape_cast %get3A_179 : vector<1x16xf32> to vector<16xf32>
        %slice3A_181 = vector.extract_strided_slice %min3A_43 {offsets = [6], sizes = [1], strides = [1]} : vector<16xf32> to vector<1xf32>
        %squeeze3A_182 = vector.extract %slice3A_181[0] : f32 from vector<1xf32>
        %get3A_183 = arith.index_cast %add3A_176 : i32 to index
        %get3A_184 = arith.constant 16 : index
        %get3A_185 = tpu.vector_load %arg11[%get3A_183, %get3A_184] {strides = array<i32>} : memref<128x32xf32, #tpu.memory_space<vmem>>, vector<1x16xf32>,
        %get3A_186 = vector.shape_cast %get3A_185 : vector<1x16xf32> to vector<16xf32>
        %mul3A_187 = vector.broadcast %squeeze3A_182 : f32 to vector<16xf32>
        %mul3A_188 = arith.mulf %mul3A_187, %get3A_186 : vector<16xf32>
        %add3A_189 = arith.addf %get3A_180, %mul3A_188 : vector<16xf32>
        %swap3A_190 = arith.index_cast %add3A_176 : i32 to index
        %swap3A_191 = arith.constant 0 : index
        %swap3A_192 = tpu.vector_load %arg12[%swap3A_190, %swap3A_191] {strides = array<i32>} : memref<128x16xf32, #tpu.memory_space<vmem>>, vector<1x16xf32>,
        %swap3A_193 = vector.shape_cast %swap3A_192 : vector<1x16xf32> to vector<16xf32>
        %swap3A_194 = vector.shape_cast %add3A_189 : vector<16xf32> to vector<1x16xf32>
        tpu.vector_store %arg12[%swap3A_190, %swap3A_191], %swap3A_194 {strides = array<i32>} : memref<128x16xf32, #tpu.memory_space<vmem>>, vector<1x16xf32>,
        %mul3A_195 = arith.constant 16 : i32
        %mul3A_196 = arith.muli %scan3A_36, %mul3A_195 : i32
        %add3A_197 = arith.constant 7 : i32
        %add3A_198 = arith.addi %mul3A_196, %add3A_197 : i32
        %get3A_199 = arith.index_cast %add3A_198 : i32 to index
        %get3A_200 = arith.constant 0 : index
        %get3A_201 = tpu.vector_load %arg11[%get3A_199, %get3A_200] {strides = array<i32>} : memref<128x32xf32, #tpu.memory_space<vmem>>, vector<1x16xf32>,
        %get3A_202 = vector.shape_cast %get3A_201 : vector<1x16xf32> to vector<16xf32>
        %slice3A_203 = vector.extract_strided_slice %min3A_43 {offsets = [7], sizes = [1], strides = [1]} : vector<16xf32> to vector<1xf32>
        %squeeze3A_204 = vector.extract %slice3A_203[0] : f32 from vector<1xf32>
        %get3A_205 = arith.index_cast %add3A_198 : i32 to index
        %get3A_206 = arith.constant 16 : index
        %get3A_207 = tpu.vector_load %arg11[%get3A_205, %get3A_206] {strides = array<i32>} : memref<128x32xf32, #tpu.memory_space<vmem>>, vector<1x16xf32>,
        %get3A_208 = vector.shape_cast %get3A_207 : vector<1x16xf32> to vector<16xf32>
        %mul3A_209 = vector.broadcast %squeeze3A_204 : f32 to vector<16xf32>
        %mul3A_210 = arith.mulf %mul3A_209, %get3A_208 : vector<16xf32>
        %add3A_211 = arith.addf %get3A_202, %mul3A_210 : vector<16xf32>
        %swap3A_212 = arith.index_cast %add3A_198 : i32 to index
        %swap3A_213 = arith.constant 0 : index
        %swap3A_214 = tpu.vector_load %arg12[%swap3A_212, %swap3A_213] {strides = array<i32>} : memref<128x16xf32, #tpu.memory_space<vmem>>, vector<1x16xf32>,
        %swap3A_215 = vector.shape_cast %swap3A_214 : vector<1x16xf32> to vector<16xf32>
        %swap3A_216 = vector.shape_cast %add3A_211 : vector<16xf32> to vector<1x16xf32>
        tpu.vector_store %arg12[%swap3A_212, %swap3A_213], %swap3A_216 {strides = array<i32>} : memref<128x16xf32, #tpu.memory_space<vmem>>, vector<1x16xf32>,
        %mul3A_217 = arith.constant 16 : i32
        %mul3A_218 = arith.muli %scan3A_36, %mul3A_217 : i32
        %add3A_219 = arith.constant 8 : i32
        %add3A_220 = arith.addi %mul3A_218, %add3A_219 : i32
        %get3A_221 = arith.index_cast %add3A_220 : i32 to index
        %get3A_222 = arith.constant 0 : index
        %get3A_223 = tpu.vector_load %arg11[%get3A_221, %get3A_222] {strides = array<i32>} : memref<128x32xf32, #tpu.memory_space<vmem>>, vector<1x16xf32>,
        %get3A_224 = vector.shape_cast %get3A_223 : vector<1x16xf32> to vector<16xf32>
        %slice3A_225 = vector.extract_strided_slice %min3A_43 {offsets = [8], sizes = [1], strides = [1]} : vector<16xf32> to vector<1xf32>
        %squeeze3A_226 = vector.extract %slice3A_225[0] : f32 from vector<1xf32>
        %get3A_227 = arith.index_cast %add3A_220 : i32 to index
        %get3A_228 = arith.constant 16 : index
        %get3A_229 = tpu.vector_load %arg11[%get3A_227, %get3A_228] {strides = array<i32>} : memref<128x32xf32, #tpu.memory_space<vmem>>, vector<1x16xf32>,
        %get3A_230 = vector.shape_cast %get3A_229 : vector<1x16xf32> to vector<16xf32>
        %mul3A_231 = vector.broadcast %squeeze3A_226 : f32 to vector<16xf32>
        %mul3A_232 = arith.mulf %mul3A_231, %get3A_230 : vector<16xf32>
        %add3A_233 = arith.addf %get3A_224, %mul3A_232 : vector<16xf32>
        %swap3A_234 = arith.index_cast %add3A_220 : i32 to index
        %swap3A_235 = arith.constant 0 : index
        %swap3A_236 = tpu.vector_load %arg12[%swap3A_234, %swap3A_235] {strides = array<i32>} : memref<128x16xf32, #tpu.memory_space<vmem>>, vector<1x16xf32>,
        %swap3A_237 = vector.shape_cast %swap3A_236 : vector<1x16xf32> to vector<16xf32>
        %swap3A_238 = vector.shape_cast %add3A_233 : vector<16xf32> to vector<1x16xf32>
        tpu.vector_store %arg12[%swap3A_234, %swap3A_235], %swap3A_238 {strides = array<i32>} : memref<128x16xf32, #tpu.memory_space<vmem>>, vector<1x16xf32>,
        %mul3A_239 = arith.constant 16 : i32
        %mul3A_240 = arith.muli %scan3A_36, %mul3A_239 : i32
        %add3A_241 = arith.constant 9 : i32
        %add3A_242 = arith.addi %mul3A_240, %add3A_241 : i32
        %get3A_243 = arith.index_cast %add3A_242 : i32 to index
        %get3A_244 = arith.constant 0 : index
        %get3A_245 = tpu.vector_load %arg11[%get3A_243, %get3A_244] {strides = array<i32>} : memref<128x32xf32, #tpu.memory_space<vmem>>, vector<1x16xf32>,
        %get3A_246 = vector.shape_cast %get3A_245 : vector<1x16xf32> to vector<16xf32>
        %slice3A_247 = vector.extract_strided_slice %min3A_43 {offsets = [9], sizes = [1], strides = [1]} : vector<16xf32> to vector<1xf32>
        %squeeze3A_248 = vector.extract %slice3A_247[0] : f32 from vector<1xf32>
        %get3A_249 = arith.index_cast %add3A_242 : i32 to index
        %get3A_250 = arith.constant 16 : index
        %get3A_251 = tpu.vector_load %arg11[%get3A_249, %get3A_250] {strides = array<i32>} : memref<128x32xf32, #tpu.memory_space<vmem>>, vector<1x16xf32>,
        %get3A_252 = vector.shape_cast %get3A_251 : vector<1x16xf32> to vector<16xf32>
        %mul3A_253 = vector.broadcast %squeeze3A_248 : f32 to vector<16xf32>
        %mul3A_254 = arith.mulf %mul3A_253, %get3A_252 : vector<16xf32>
        %add3A_255 = arith.addf %get3A_246, %mul3A_254 : vector<16xf32>
        %swap3A_256 = arith.index_cast %add3A_242 : i32 to index
        %swap3A_257 = arith.constant 0 : index
        %swap3A_258 = tpu.vector_load %arg12[%swap3A_256, %swap3A_257] {strides = array<i32>} : memref<128x16xf32, #tpu.memory_space<vmem>>, vector<1x16xf32>,
        %swap3A_259 = vector.shape_cast %swap3A_258 : vector<1x16xf32> to vector<16xf32>
        %swap3A_260 = vector.shape_cast %add3A_255 : vector<16xf32> to vector<1x16xf32>
        tpu.vector_store %arg12[%swap3A_256, %swap3A_257], %swap3A_260 {strides = array<i32>} : memref<128x16xf32, #tpu.memory_space<vmem>>, vector<1x16xf32>,
        %mul3A_261 = arith.constant 16 : i32
        %mul3A_262 = arith.muli %scan3A_36, %mul3A_261 : i32
        %add3A_263 = arith.constant 10 : i32
        %add3A_264 = arith.addi %mul3A_262, %add3A_263 : i32
        %get3A_265 = arith.index_cast %add3A_264 : i32 to index
        %get3A_266 = arith.constant 0 : index
        %get3A_267 = tpu.vector_load %arg11[%get3A_265, %get3A_266] {strides = array<i32>} : memref<128x32xf32, #tpu.memory_space<vmem>>, vector<1x16xf32>,
        %get3A_268 = vector.shape_cast %get3A_267 : vector<1x16xf32> to vector<16xf32>
        %slice3A_269 = vector.extract_strided_slice %min3A_43 {offsets = [10], sizes = [1], strides = [1]} : vector<16xf32> to vector<1xf32>
        %squeeze3A_270 = vector.extract %slice3A_269[0] : f32 from vector<1xf32>
        %get3A_271 = arith.index_cast %add3A_264 : i32 to index
        %get3A_272 = arith.constant 16 : index
        %get3A_273 = tpu.vector_load %arg11[%get3A_271, %get3A_272] {strides = array<i32>} : memref<128x32xf32, #tpu.memory_space<vmem>>, vector<1x16xf32>,
        %get3A_274 = vector.shape_cast %get3A_273 : vector<1x16xf32> to vector<16xf32>
        %mul3A_275 = vector.broadcast %squeeze3A_270 : f32 to vector<16xf32>
        %mul3A_276 = arith.mulf %mul3A_275, %get3A_274 : vector<16xf32>
        %add3A_277 = arith.addf %get3A_268, %mul3A_276 : vector<16xf32>
        %swap3A_278 = arith.index_cast %add3A_264 : i32 to index
        %swap3A_279 = arith.constant 0 : index
        %swap3A_280 = tpu.vector_load %arg12[%swap3A_278, %swap3A_279] {strides = array<i32>} : memref<128x16xf32, #tpu.memory_space<vmem>>, vector<1x16xf32>,
        %swap3A_281 = vector.shape_cast %swap3A_280 : vector<1x16xf32> to vector<16xf32>
        %swap3A_282 = vector.shape_cast %add3A_277 : vector<16xf32> to vector<1x16xf32>
        tpu.vector_store %arg12[%swap3A_278, %swap3A_279], %swap3A_282 {strides = array<i32>} : memref<128x16xf32, #tpu.memory_space<vmem>>, vector<1x16xf32>,
        %mul3A_283 = arith.constant 16 : i32
        %mul3A_284 = arith.muli %scan3A_36, %mul3A_283 : i32
        %add3A_285 = arith.constant 11 : i32
        %add3A_286 = arith.addi %mul3A_284, %add3A_285 : i32
        %get3A_287 = arith.index_cast %add3A_286 : i32 to index
        %get3A_288 = arith.constant 0 : index
        %get3A_289 = tpu.vector_load %arg11[%get3A_287, %get3A_288] {strides = array<i32>} : memref<128x32xf32, #tpu.memory_space<vmem>>, vector<1x16xf32>,
        %get3A_290 = vector.shape_cast %get3A_289 : vector<1x16xf32> to vector<16xf32>
        %slice3A_291 = vector.extract_strided_slice %min3A_43 {offsets = [11], sizes = [1], strides = [1]} : vector<16xf32> to vector<1xf32>
        %squeeze3A_292 = vector.extract %slice3A_291[0] : f32 from vector<1xf32>
        %get3A_293 = arith.index_cast %add3A_286 : i32 to index
        %get3A_294 = arith.constant 16 : index
        %get3A_295 = tpu.vector_load %arg11[%get3A_293, %get3A_294] {strides = array<i32>} : memref<128x32xf32, #tpu.memory_space<vmem>>, vector<1x16xf32>,
        %get3A_296 = vector.shape_cast %get3A_295 : vector<1x16xf32> to vector<16xf32>
        %mul3A_297 = vector.broadcast %squeeze3A_292 : f32 to vector<16xf32>
        %mul3A_298 = arith.mulf %mul3A_297, %get3A_296 : vector<16xf32>
        %add3A_299 = arith.addf %get3A_290, %mul3A_298 : vector<16xf32>
        %swap3A_300 = arith.index_cast %add3A_286 : i32 to index
        %swap3A_301 = arith.constant 0 : index
        %swap3A_302 = tpu.vector_load %arg12[%swap3A_300, %swap3A_301] {strides = array<i32>} : memref<128x16xf32, #tpu.memory_space<vmem>>, vector<1x16xf32>,
        %swap3A_303 = vector.shape_cast %swap3A_302 : vector<1x16xf32> to vector<16xf32>
        %swap3A_304 = vector.shape_cast %add3A_299 : vector<16xf32> to vector<1x16xf32>
        tpu.vector_store %arg12[%swap3A_300, %swap3A_301], %swap3A_304 {strides = array<i32>} : memref<128x16xf32, #tpu.memory_space<vmem>>, vector<1x16xf32>,
        %mul3A_305 = arith.constant 16 : i32
        %mul3A_306 = arith.muli %scan3A_36, %mul3A_305 : i32
        %add3A_307 = arith.constant 12 : i32
        %add3A_308 = arith.addi %mul3A_306, %add3A_307 : i32
        %get3A_309 = arith.index_cast %add3A_308 : i32 to index
        %get3A_310 = arith.constant 0 : index
        %get3A_311 = tpu.vector_load %arg11[%get3A_309, %get3A_310] {strides = array<i32>} : memref<128x32xf32, #tpu.memory_space<vmem>>, vector<1x16xf32>,
        %get3A_312 = vector.shape_cast %get3A_311 : vector<1x16xf32> to vector<16xf32>
        %slice3A_313 = vector.extract_strided_slice %min3A_43 {offsets = [12], sizes = [1], strides = [1]} : vector<16xf32> to vector<1xf32>
        %squeeze3A_314 = vector.extract %slice3A_313[0] : f32 from vector<1xf32>
        %get3A_315 = arith.index_cast %add3A_308 : i32 to index
        %get3A_316 = arith.constant 16 : index
        %get3A_317 = tpu.vector_load %arg11[%get3A_315, %get3A_316] {strides = array<i32>} : memref<128x32xf32, #tpu.memory_space<vmem>>, vector<1x16xf32>,
        %get3A_318 = vector.shape_cast %get3A_317 : vector<1x16xf32> to vector<16xf32>
        %mul3A_319 = vector.broadcast %squeeze3A_314 : f32 to vector<16xf32>
        %mul3A_320 = arith.mulf %mul3A_319, %get3A_318 : vector<16xf32>
        %add3A_321 = arith.addf %get3A_312, %mul3A_320 : vector<16xf32>
        %swap3A_322 = arith.index_cast %add3A_308 : i32 to index
        %swap3A_323 = arith.constant 0 : index
        %swap3A_324 = tpu.vector_load %arg12[%swap3A_322, %swap3A_323] {strides = array<i32>} : memref<128x16xf32, #tpu.memory_space<vmem>>, vector<1x16xf32>,
        %swap3A_325 = vector.shape_cast %swap3A_324 : vector<1x16xf32> to vector<16xf32>
        %swap3A_326 = vector.shape_cast %add3A_321 : vector<16xf32> to vector<1x16xf32>
        tpu.vector_store %arg12[%swap3A_322, %swap3A_323], %swap3A_326 {strides = array<i32>} : memref<128x16xf32, #tpu.memory_space<vmem>>, vector<1x16xf32>,
        %mul3A_327 = arith.constant 16 : i32
        %mul3A_328 = arith.muli %scan3A_36, %mul3A_327 : i32
        %add3A_329 = arith.constant 13 : i32
        %add3A_330 = arith.addi %mul3A_328, %add3A_329 : i32
        %get3A_331 = arith.index_cast %add3A_330 : i32 to index
        %get3A_332 = arith.constant 0 : index
        %get3A_333 = tpu.vector_load %arg11[%get3A_331, %get3A_332] {strides = array<i32>} : memref<128x32xf32, #tpu.memory_space<vmem>>, vector<1x16xf32>,
        %get3A_334 = vector.shape_cast %get3A_333 : vector<1x16xf32> to vector<16xf32>
        %slice3A_335 = vector.extract_strided_slice %min3A_43 {offsets = [13], sizes = [1], strides = [1]} : vector<16xf32> to vector<1xf32>
        %squeeze3A_336 = vector.extract %slice3A_335[0] : f32 from vector<1xf32>
        %get3A_337 = arith.index_cast %add3A_330 : i32 to index
        %get3A_338 = arith.constant 16 : index
        %get3A_339 = tpu.vector_load %arg11[%get3A_337, %get3A_338] {strides = array<i32>} : memref<128x32xf32, #tpu.memory_space<vmem>>, vector<1x16xf32>,
        %get3A_340 = vector.shape_cast %get3A_339 : vector<1x16xf32> to vector<16xf32>
        %mul3A_341 = vector.broadcast %squeeze3A_336 : f32 to vector<16xf32>
        %mul3A_342 = arith.mulf %mul3A_341, %get3A_340 : vector<16xf32>
        %add3A_343 = arith.addf %get3A_334, %mul3A_342 : vector<16xf32>
        %swap3A_344 = arith.index_cast %add3A_330 : i32 to index
        %swap3A_345 = arith.constant 0 : index
        %swap3A_346 = tpu.vector_load %arg12[%swap3A_344, %swap3A_345] {strides = array<i32>} : memref<128x16xf32, #tpu.memory_space<vmem>>, vector<1x16xf32>,
        %swap3A_347 = vector.shape_cast %swap3A_346 : vector<1x16xf32> to vector<16xf32>
        %swap3A_348 = vector.shape_cast %add3A_343 : vector<16xf32> to vector<1x16xf32>
        tpu.vector_store %arg12[%swap3A_344, %swap3A_345], %swap3A_348 {strides = array<i32>} : memref<128x16xf32, #tpu.memory_space<vmem>>, vector<1x16xf32>,
        %mul3A_349 = arith.constant 16 : i32
        %mul3A_350 = arith.muli %scan3A_36, %mul3A_349 : i32
        %add3A_351 = arith.constant 14 : i32
        %add3A_352 = arith.addi %mul3A_350, %add3A_351 : i32
        %get3A_353 = arith.index_cast %add3A_352 : i32 to index
        %get3A_354 = arith.constant 0 : index
        %get3A_355 = tpu.vector_load %arg11[%get3A_353, %get3A_354] {strides = array<i32>} : memref<128x32xf32, #tpu.memory_space<vmem>>, vector<1x16xf32>,
        %get3A_356 = vector.shape_cast %get3A_355 : vector<1x16xf32> to vector<16xf32>
        %slice3A_357 = vector.extract_strided_slice %min3A_43 {offsets = [14], sizes = [1], strides = [1]} : vector<16xf32> to vector<1xf32>
        %squeeze3A_358 = vector.extract %slice3A_357[0] : f32 from vector<1xf32>
        %get3A_359 = arith.index_cast %add3A_352 : i32 to index
        %get3A_360 = arith.constant 16 : index
        %get3A_361 = tpu.vector_load %arg11[%get3A_359, %get3A_360] {strides = array<i32>} : memref<128x32xf32, #tpu.memory_space<vmem>>, vector<1x16xf32>,
        %get3A_362 = vector.shape_cast %get3A_361 : vector<1x16xf32> to vector<16xf32>
        %mul3A_363 = vector.broadcast %squeeze3A_358 : f32 to vector<16xf32>
        %mul3A_364 = arith.mulf %mul3A_363, %get3A_362 : vector<16xf32>
        %add3A_365 = arith.addf %get3A_356, %mul3A_364 : vector<16xf32>
        %swap3A_366 = arith.index_cast %add3A_352 : i32 to index
        %swap3A_367 = arith.constant 0 : index
        %swap3A_368 = tpu.vector_load %arg12[%swap3A_366, %swap3A_367] {strides = array<i32>} : memref<128x16xf32, #tpu.memory_space<vmem>>, vector<1x16xf32>,
        %swap3A_369 = vector.shape_cast %swap3A_368 : vector<1x16xf32> to vector<16xf32>
        %swap3A_370 = vector.shape_cast %add3A_365 : vector<16xf32> to vector<1x16xf32>
        tpu.vector_store %arg12[%swap3A_366, %swap3A_367], %swap3A_370 {strides = array<i32>} : memref<128x16xf32, #tpu.memory_space<vmem>>, vector<1x16xf32>,
        %mul3A_371 = arith.constant 16 : i32
        %mul3A_372 = arith.muli %scan3A_36, %mul3A_371 : i32
        %add3A_373 = arith.constant 15 : i32
        %add3A_374 = arith.addi %mul3A_372, %add3A_373 : i32
        %get3A_375 = arith.index_cast %add3A_374 : i32 to index
        %get3A_376 = arith.constant 0 : index
        %get3A_377 = tpu.vector_load %arg11[%get3A_375, %get3A_376] {strides = array<i32>} : memref<128x32xf32, #tpu.memory_space<vmem>>, vector<1x16xf32>,
        %get3A_378 = vector.shape_cast %get3A_377 : vector<1x16xf32> to vector<16xf32>
        %slice3A_379 = vector.extract_strided_slice %min3A_43 {offsets = [15], sizes = [1], strides = [1]} : vector<16xf32> to vector<1xf32>
        %squeeze3A_380 = vector.extract %slice3A_379[0] : f32 from vector<1xf32>
        %get3A_381 = arith.index_cast %add3A_374 : i32 to index
        %get3A_382 = arith.constant 16 : index
        %get3A_383 = tpu.vector_load %arg11[%get3A_381, %get3A_382] {strides = array<i32>} : memref<128x32xf32, #tpu.memory_space<vmem>>, vector<1x16xf32>,
        %get3A_384 = vector.shape_cast %get3A_383 : vector<1x16xf32> to vector<16xf32>
        %mul3A_385 = vector.broadcast %squeeze3A_380 : f32 to vector<16xf32>
        %mul3A_386 = arith.mulf %mul3A_385, %get3A_384 : vector<16xf32>
        %add3A_387 = arith.addf %get3A_378, %mul3A_386 : vector<16xf32>
        %swap3A_388 = arith.index_cast %add3A_374 : i32 to index
        %swap3A_389 = arith.constant 0 : index
        %swap3A_390 = tpu.vector_load %arg12[%swap3A_388, %swap3A_389] {strides = array<i32>} : memref<128x16xf32, #tpu.memory_space<vmem>>, vector<1x16xf32>,
        %swap3A_391 = vector.shape_cast %swap3A_390 : vector<1x16xf32> to vector<16xf32>
        %swap3A_392 = vector.shape_cast %add3A_387 : vector<16xf32> to vector<1x16xf32>
        tpu.vector_store %arg12[%swap3A_388, %swap3A_389], %swap3A_392 {strides = array<i32>} : memref<128x16xf32, #tpu.memory_space<vmem>>, vector<1x16xf32>,
      }
      %scan3A_35 = arith.constant 8 : i32
      "tpu.region"() ({
        %run_scoped3A = tpu.sem_alloc : memref<!tpu.dma_semaphore, #tpu.memory_space<semaphore_mem>>
        %dma_start3A_36 = arith.constant 0 : i32
        %dma_start3A_37 = arith.constant 0 : i32
        %dma_start3A_38 = tpu.memref_slice %arg7[%dma_start3A_36, %dma_start3A_37] : memref<10112x16xf32, #tpu.memory_space<vmem_shared>> -> memref<10112x16xf32, #tpu.memory_space<vmem_shared>>
        tpu.enqueue_indirect_dma source(%arg12 : memref<128x16xf32, #tpu.memory_space<vmem>>) target(%dma_start3A_38 : memref<10112x16xf32, #tpu.memory_space<vmem_shared>>) offsets(%arg9 : memref<128xi32, #tpu.memory_space<vmem>>) semaphore(%run_scoped3A : memref<!tpu.dma_semaphore, #tpu.memory_space<semaphore_mem>>) {add = true}
        %dma_wait3A_39 = arith.constant 0 : i32
        %dma_wait3A_40 = arith.constant 0 : i32
        %dma_wait3A_41 = tpu.memref_slice %arg7[%dma_wait3A_39, %dma_wait3A_40] : memref<10112x16xf32, #tpu.memory_space<vmem_shared>> -> memref<10112x16xf32, #tpu.memory_space<vmem_shared>>
        tpu.wait_indirect_dma semaphore(%run_scoped3A : memref<!tpu.dma_semaphore, #tpu.memory_space<semaphore_mem>>) src(%arg12 : memref<128x16xf32, #tpu.memory_space<vmem>>) dst(%dma_wait3A_41 : memref<10112x16xf32, #tpu.memory_space<vmem_shared>>)
        tpu.yield
      }) : () -> ()
    }
    %scan3A_16 = arith.constant 79 : i32
    %barrier3A_17 = arith.constant 0 : index
    tpu.barrier barrier_id(%barrier3A_17)
    %mul3A_18 = arith.constant 632 : i32
    %mul3A_19 = arith.muli %arg1, %mul3A_18 : i32
    %mul3A_20 = arith.constant 632 : i32
    %mul3A_21 = arith.muli %arg1, %mul3A_20 : i32
    "tpu.region"() ({
      %run_scoped3A = tpu.sem_alloc : memref<!tpu.dma_semaphore, #tpu.memory_space<semaphore_mem>>
      %dma_start3A = arith.constant 0 : i32
      %dma_start3A_22 = tpu.memref_slice %arg6[%arg0, %mul3A_21, %dma_start3A] : memref<2x10112x16xf32, #tpu.memory_space<hbm>> -> memref<1x632x16xf32, #tpu.memory_space<hbm>>
      %dma_start3A_23 = tpu.memref_squeeze %dma_start3A_22 : memref<1x632x16xf32, #tpu.memory_space<hbm>> -> memref<632x16xf32, #tpu.memory_space<hbm>>
      %dma_start3A_24 = arith.constant 0 : i32
      %dma_start3A_25 = tpu.memref_slice %arg7[%mul3A_19, %dma_start3A_24] : memref<10112x16xf32, #tpu.memory_space<vmem_shared>> -> memref<632x16xf32, #tpu.memory_space<vmem_shared>>
      tpu.enqueue_dma source(%dma_start3A_25 : memref<632x16xf32, #tpu.memory_space<vmem_shared>>) target(%dma_start3A_23 : memref<632x16xf32, #tpu.memory_space<hbm>>) target_semaphore(%run_scoped3A : memref<!tpu.dma_semaphore, #tpu.memory_space<semaphore_mem>>)
      %dma_wait3A = arith.constant 0 : i32
      %dma_wait3A_26 = tpu.memref_slice %arg6[%arg0, %mul3A_21, %dma_wait3A] : memref<2x10112x16xf32, #tpu.memory_space<hbm>> -> memref<1x632x16xf32, #tpu.memory_space<hbm>>
      %dma_wait3A_27 = tpu.memref_squeeze %dma_wait3A_26 : memref<1x632x16xf32, #tpu.memory_space<hbm>> -> memref<632x16xf32, #tpu.memory_space<hbm>>
      %dma_wait3A_28 = arith.constant 0 : i32
      %dma_wait3A_29 = tpu.memref_slice %arg7[%mul3A_19, %dma_wait3A_28] : memref<10112x16xf32, #tpu.memory_space<vmem_shared>> -> memref<632x16xf32, #tpu.memory_space<vmem_shared>>
      tpu.wait_dma2 semaphore(%run_scoped3A : memref<!tpu.dma_semaphore, #tpu.memory_space<semaphore_mem>>) src(%dma_wait3A_29 : memref<632x16xf32, #tpu.memory_space<vmem_shared>>) dst(%dma_wait3A_27 : memref<632x16xf32, #tpu.memory_space<hbm>>)
      tpu.yield
    }) : () -> ()
    return
  }
}

module attributes {stable_mosaic.version = 14 : i64} {
  func.func @_l1_body(%arg0: memref<10000x128xf32, #tpu.memory_space<vmem>>, %arg1: memref<2x128x16xf32, #tpu.memory_space<vmem>>, %arg2: memref<128x16xf32, #tpu.memory_space<vmem>>, %arg3: memref<10000x32xf32, #tpu.memory_space<vmem>>, %arg4: memref<10000x16xf32, #tpu.memory_space<vmem>>) attributes {dimension_semantics = [], scalar_prefetch = 0 : i64, scratch_operands = 0 : i64, tpu.core_type = #tpu.core_type<tc>} {
    %get3A = arith.constant 0 : index
    %get3A_0 = arith.constant 0 : index
    %get3A_1 = vector.load %arg0[%get3A, %get3A_0] : memref<10000x128xf32, #tpu.memory_space<vmem>>, vector<10000x128xf32>
    %get3A_2 = arith.constant 0 : index
    %get3A_3 = arith.constant 0 : index
    %get3A_4 = arith.constant 0 : index
    %get3A_5 = vector.load %arg1[%get3A_2, %get3A_3, %get3A_4] : memref<2x128x16xf32, #tpu.memory_space<vmem>>, vector<1x128x16xf32>
    %get3A_6 = vector.shape_cast %get3A_5 : vector<1x128x16xf32> to vector<128x16xf32>
    %dot_general3A = arith.constant dense<0.000000e+00> : vector<10000x16xf32>
    %dot_general3A_7 = tpu.matmul %get3A_1, %get3A_6, %dot_general3A {dimension_numbers = #tpu.dot_dimension_numbers<[1], [0], [0], [1], [0, 0, 1, 1], [], []>, transpose_lhs_hint = false} : vector<10000x128xf32>, vector<128x16xf32>, vector<10000x16xf32> -> vector<10000x16xf32>
    %get3A_8 = arith.constant 1 : index
    %get3A_9 = arith.constant 0 : index
    %get3A_10 = arith.constant 0 : index
    %get3A_11 = vector.load %arg1[%get3A_8, %get3A_9, %get3A_10] : memref<2x128x16xf32, #tpu.memory_space<vmem>>, vector<1x128x16xf32>
    %get3A_12 = vector.shape_cast %get3A_11 : vector<1x128x16xf32> to vector<128x16xf32>
    %dot_general3A_13 = arith.constant dense<0.000000e+00> : vector<10000x16xf32>
    %dot_general3A_14 = tpu.matmul %get3A_1, %get3A_12, %dot_general3A_13 {dimension_numbers = #tpu.dot_dimension_numbers<[1], [0], [0], [1], [0, 0, 1, 1], [], []>, transpose_lhs_hint = false} : vector<10000x128xf32>, vector<128x16xf32>, vector<10000x16xf32> -> vector<10000x16xf32>
    %sub3A = arith.subf %dot_general3A_14, %dot_general3A_7 : vector<10000x16xf32>
    %concatenate3A = tpu.concatenate %dot_general3A_7, %sub3A in 1 : vector<10000x16xf32>, vector<10000x16xf32> -> vector<10000x32xf32>
    %swap3A = arith.constant 0 : index
    %swap3A_15 = arith.constant 0 : index
    %swap3A_16 = vector.load %arg3[%swap3A, %swap3A_15] : memref<10000x32xf32, #tpu.memory_space<vmem>>, vector<10000x32xf32>
    tpu.vector_store %arg3[%swap3A, %swap3A_15], %concatenate3A {strides = array<i32>} : memref<10000x32xf32, #tpu.memory_space<vmem>>, vector<10000x32xf32>,
    %get3A_17 = arith.constant 0 : index
    %get3A_18 = arith.constant 0 : index
    %get3A_19 = vector.load %arg2[%get3A_17, %get3A_18] : memref<128x16xf32, #tpu.memory_space<vmem>>, vector<128x16xf32>
    %dot_general3A_20 = arith.constant dense<0.000000e+00> : vector<10000x16xf32>
    %dot_general3A_21 = tpu.matmul %get3A_1, %get3A_19, %dot_general3A_20 {dimension_numbers = #tpu.dot_dimension_numbers<[1], [0], [0], [1], [0, 0, 1, 1], [], []>, transpose_lhs_hint = false} : vector<10000x128xf32>, vector<128x16xf32>, vector<10000x16xf32> -> vector<10000x16xf32>
    %swap3A_22 = arith.constant 0 : index
    %swap3A_23 = arith.constant 0 : index
    %swap3A_24 = vector.load %arg4[%swap3A_22, %swap3A_23] : memref<10000x16xf32, #tpu.memory_space<vmem>>, vector<10000x16xf32>
    tpu.vector_store %arg4[%swap3A_22, %swap3A_23], %dot_general3A_21 {strides = array<i32>} : memref<10000x16xf32, #tpu.memory_space<vmem>>, vector<10000x16xf32>,
    return
  }
}

module attributes {stable_mosaic.version = 14 : i64} {
  func.func @_mid_body(%arg0: memref<2x10112x32xf32, #tpu.memory_space<vmem>>, %arg1: memref<10000x16xf32, #tpu.memory_space<vmem>>, %arg2: memref<1x16xf32, #tpu.memory_space<vmem>>, %arg3: memref<2x16x16xf32, #tpu.memory_space<vmem>>, %arg4: memref<16x16xf32, #tpu.memory_space<vmem>>, %arg5: memref<1x16xf32, #tpu.memory_space<vmem>>, %arg6: memref<10000x32xf32, #tpu.memory_space<vmem>>, %arg7: memref<10000x16xf32, #tpu.memory_space<vmem>>, %arg8: memref<10000x16xf32, #tpu.memory_space<vmem>>) attributes {dimension_semantics = [], scalar_prefetch = 0 : i64, scratch_operands = 0 : i64, tpu.core_type = #tpu.core_type<tc>} {
    %get3A = arith.constant 0 : index
    %get3A_0 = arith.constant 0 : index
    %get3A_1 = arith.constant 0 : index
    %get3A_2 = vector.load %arg0[%get3A, %get3A_0, %get3A_1] : memref<2x10112x32xf32, #tpu.memory_space<vmem>>, vector<2x10112x32xf32>
    %slice3A = vector.extract_strided_slice %get3A_2 {offsets = [0, 0, 0], sizes = [1, 10000, 32], strides = [1, 1, 1]} : vector<2x10112x32xf32> to vector<1x10000x32xf32>
    %squeeze3A = vector.shape_cast %slice3A : vector<1x10000x32xf32> to vector<10000x32xf32>
    %slice3A_3 = vector.extract_strided_slice %get3A_2 {offsets = [1, 0, 0], sizes = [1, 10000, 32], strides = [1, 1, 1]} : vector<2x10112x32xf32> to vector<1x10000x32xf32>
    %squeeze3A_4 = vector.shape_cast %slice3A_3 : vector<1x10000x32xf32> to vector<10000x32xf32>
    %add3A = arith.addf %squeeze3A, %squeeze3A_4 : vector<10000x32xf32>
    %slice3A_5 = vector.extract_strided_slice %add3A {offsets = [0, 16], sizes = [10000, 1], strides = [1, 1]} : vector<10000x32xf32> to vector<10000x1xf32>
    %max3A = arith.constant 1.000000e+00 : f32
    %max3A_6 = vector.broadcast %max3A : f32 to vector<10000x1xf32>
    %max3A_7 = arith.maximumf %slice3A_5, %max3A_6 : vector<10000x1xf32>
    %div3A = arith.constant 1.000000e+00 : f32
    %div3A_8 = vector.broadcast %div3A : f32 to vector<10000x1xf32>
    %div3A_9 = arith.divf %div3A_8, %max3A_7 : vector<10000x1xf32>
    %slice3A_10 = vector.extract_strided_slice %add3A {offsets = [0, 0], sizes = [10000, 16], strides = [1, 1]} : vector<10000x32xf32> to vector<10000x16xf32>
    %mul3A = vector.broadcast %div3A_9 : vector<10000x1xf32> to vector<10000x16xf32>
    %mul3A_11 = arith.mulf %slice3A_10, %mul3A : vector<10000x16xf32>
    %get3A_12 = arith.constant 0 : index
    %get3A_13 = arith.constant 0 : index
    %get3A_14 = vector.load %arg1[%get3A_12, %get3A_13] : memref<10000x16xf32, #tpu.memory_space<vmem>>, vector<10000x16xf32>
    %add3A_15 = arith.addf %mul3A_11, %get3A_14 : vector<10000x16xf32>
    %get3A_16 = arith.constant 0 : index
    %get3A_17 = arith.constant 0 : index
    %get3A_18 = vector.load %arg2[%get3A_16, %get3A_17] : memref<1x16xf32, #tpu.memory_space<vmem>>, vector<1x16xf32>
    %add3A_19 = vector.broadcast %get3A_18 : vector<1x16xf32> to vector<10000x16xf32>
    %add3A_20 = arith.addf %add3A_15, %add3A_19 : vector<10000x16xf32>
    %gt3A = arith.constant 0.000000e+00 : f32
    %gt3A_21 = vector.broadcast %gt3A : f32 to vector<10000x16xf32>
    %gt3A_22 = arith.cmpf ogt, %add3A_20, %gt3A_21 : vector<10000x16xf32>
    %min3A = arith.constant 0.000000e+00 : f32
    %min3A_23 = vector.broadcast %min3A : f32 to vector<10000x16xf32>
    %min3A_24 = arith.minimumf %add3A_20, %min3A_23 : vector<10000x16xf32>
    %exp3A = math.exp %min3A_24 : vector<10000x16xf32>
    %sub3A = arith.constant 1.000000e+00 : f32
    %sub3A_25 = vector.broadcast %sub3A : f32 to vector<10000x16xf32>
    %sub3A_26 = arith.subf %exp3A, %sub3A_25 : vector<10000x16xf32>
    %select_n3A = arith.select %gt3A_22, %add3A_20, %sub3A_26 : vector<10000x16xi1>, vector<10000x16xf32>
    %get3A_27 = arith.constant 0 : index
    %get3A_28 = arith.constant 0 : index
    %get3A_29 = arith.constant 0 : index
    %get3A_30 = vector.load %arg3[%get3A_27, %get3A_28, %get3A_29] : memref<2x16x16xf32, #tpu.memory_space<vmem>>, vector<1x16x16xf32>
    %get3A_31 = vector.shape_cast %get3A_30 : vector<1x16x16xf32> to vector<16x16xf32>
    %dot_general3A = arith.constant dense<0.000000e+00> : vector<10000x16xf32>
    %dot_general3A_32 = tpu.matmul %select_n3A, %get3A_31, %dot_general3A {dimension_numbers = #tpu.dot_dimension_numbers<[1], [0], [0], [1], [0, 0, 1, 1], [], []>, transpose_lhs_hint = false} : vector<10000x16xf32>, vector<16x16xf32>, vector<10000x16xf32> -> vector<10000x16xf32>
    %get3A_33 = arith.constant 1 : index
    %get3A_34 = arith.constant 0 : index
    %get3A_35 = arith.constant 0 : index
    %get3A_36 = vector.load %arg3[%get3A_33, %get3A_34, %get3A_35] : memref<2x16x16xf32, #tpu.memory_space<vmem>>, vector<1x16x16xf32>
    %get3A_37 = vector.shape_cast %get3A_36 : vector<1x16x16xf32> to vector<16x16xf32>
    %dot_general3A_38 = arith.constant dense<0.000000e+00> : vector<10000x16xf32>
    %dot_general3A_39 = tpu.matmul %select_n3A, %get3A_37, %dot_general3A_38 {dimension_numbers = #tpu.dot_dimension_numbers<[1], [0], [0], [1], [0, 0, 1, 1], [], []>, transpose_lhs_hint = false} : vector<10000x16xf32>, vector<16x16xf32>, vector<10000x16xf32> -> vector<10000x16xf32>
    %sub3A_40 = arith.subf %dot_general3A_39, %dot_general3A_32 : vector<10000x16xf32>
    %concatenate3A = tpu.concatenate %dot_general3A_32, %sub3A_40 in 1 : vector<10000x16xf32>, vector<10000x16xf32> -> vector<10000x32xf32>
    %swap3A = arith.constant 0 : index
    %swap3A_41 = arith.constant 0 : index
    %swap3A_42 = vector.load %arg6[%swap3A, %swap3A_41] : memref<10000x32xf32, #tpu.memory_space<vmem>>, vector<10000x32xf32>
    tpu.vector_store %arg6[%swap3A, %swap3A_41], %concatenate3A {strides = array<i32>} : memref<10000x32xf32, #tpu.memory_space<vmem>>, vector<10000x32xf32>,
    %get3A_43 = arith.constant 0 : index
    %get3A_44 = arith.constant 0 : index
    %get3A_45 = vector.load %arg4[%get3A_43, %get3A_44] : memref<16x16xf32, #tpu.memory_space<vmem>>, vector<16x16xf32>
    %dot_general3A_46 = arith.constant dense<0.000000e+00> : vector<10000x16xf32>
    %dot_general3A_47 = tpu.matmul %select_n3A, %get3A_45, %dot_general3A_46 {dimension_numbers = #tpu.dot_dimension_numbers<[1], [0], [0], [1], [0, 0, 1, 1], [], []>, transpose_lhs_hint = false} : vector<10000x16xf32>, vector<16x16xf32>, vector<10000x16xf32> -> vector<10000x16xf32>
    %get3A_48 = arith.constant 0 : index
    %get3A_49 = arith.constant 0 : index
    %get3A_50 = vector.load %arg5[%get3A_48, %get3A_49] : memref<1x16xf32, #tpu.memory_space<vmem>>, vector<1x16xf32>
    %add3A_51 = vector.broadcast %get3A_50 : vector<1x16xf32> to vector<10000x16xf32>
    %add3A_52 = arith.addf %dot_general3A_47, %add3A_51 : vector<10000x16xf32>
    %swap3A_53 = arith.constant 0 : index
    %swap3A_54 = arith.constant 0 : index
    %swap3A_55 = vector.load %arg7[%swap3A_53, %swap3A_54] : memref<10000x16xf32, #tpu.memory_space<vmem>>, vector<10000x16xf32>
    tpu.vector_store %arg7[%swap3A_53, %swap3A_54], %add3A_52 {strides = array<i32>} : memref<10000x16xf32, #tpu.memory_space<vmem>>, vector<10000x16xf32>,
    %broadcast_in_dim3A = vector.shape_cast %div3A_9 : vector<10000x1xf32> to vector<10000x1xf32>
    %broadcast_in_dim3A_56 = vector.broadcast %broadcast_in_dim3A : vector<10000x1xf32> to vector<10000x16xf32>
    %swap3A_57 = arith.constant 0 : index
    %swap3A_58 = arith.constant 0 : index
    %swap3A_59 = vector.load %arg8[%swap3A_57, %swap3A_58] : memref<10000x16xf32, #tpu.memory_space<vmem>>, vector<10000x16xf32>
    tpu.vector_store %arg8[%swap3A_57, %swap3A_58], %broadcast_in_dim3A_56 {strides = array<i32>} : memref<10000x16xf32, #tpu.memory_space<vmem>>, vector<10000x16xf32>,
    return
  }
}

module attributes {stable_mosaic.version = 14 : i64} {
  func.func @_fin_body(%arg0: memref<2x10112x16xf32, #tpu.memory_space<vmem>>, %arg1: memref<10000x16xf32, #tpu.memory_space<vmem>>, %arg2: memref<10000x16xf32, #tpu.memory_space<vmem>>, %arg3: memref<10000x16xf32, #tpu.memory_space<vmem>>) attributes {dimension_semantics = [], scalar_prefetch = 0 : i64, scratch_operands = 0 : i64, tpu.core_type = #tpu.core_type<tc>} {
    %get3A = arith.constant 0 : index
    %get3A_0 = arith.constant 0 : index
    %get3A_1 = arith.constant 0 : index
    %get3A_2 = vector.load %arg0[%get3A, %get3A_0, %get3A_1] : memref<2x10112x16xf32, #tpu.memory_space<vmem>>, vector<2x10112x16xf32>
    %slice3A = vector.extract_strided_slice %get3A_2 {offsets = [0, 0, 0], sizes = [1, 10000, 16], strides = [1, 1, 1]} : vector<2x10112x16xf32> to vector<1x10000x16xf32>
    %squeeze3A = vector.shape_cast %slice3A : vector<1x10000x16xf32> to vector<10000x16xf32>
    %slice3A_3 = vector.extract_strided_slice %get3A_2 {offsets = [1, 0, 0], sizes = [1, 10000, 16], strides = [1, 1, 1]} : vector<2x10112x16xf32> to vector<1x10000x16xf32>
    %squeeze3A_4 = vector.shape_cast %slice3A_3 : vector<1x10000x16xf32> to vector<10000x16xf32>
    %add3A = arith.addf %squeeze3A, %squeeze3A_4 : vector<10000x16xf32>
    %get3A_5 = arith.constant 0 : index
    %get3A_6 = arith.constant 0 : index
    %get3A_7 = vector.load %arg1[%get3A_5, %get3A_6] : memref<10000x16xf32, #tpu.memory_space<vmem>>, vector<10000x16xf32>
    %mul3A = arith.mulf %add3A, %get3A_7 : vector<10000x16xf32>
    %get3A_8 = arith.constant 0 : index
    %get3A_9 = arith.constant 0 : index
    %get3A_10 = vector.load %arg2[%get3A_8, %get3A_9] : memref<10000x16xf32, #tpu.memory_space<vmem>>, vector<10000x16xf32>
    %add3A_11 = arith.addf %mul3A, %get3A_10 : vector<10000x16xf32>
    %swap3A = arith.constant 0 : index
    %swap3A_12 = arith.constant 0 : index
    %swap3A_13 = vector.load %arg3[%swap3A, %swap3A_12] : memref<10000x16xf32, #tpu.memory_space<vmem>>, vector<10000x16xf32>
    tpu.vector_store %arg3[%swap3A, %swap3A_12], %add3A_11 {strides = array<i32>} : memref<10000x16xf32, #tpu.memory_space<vmem>>, vector<10000x16xf32>,
    return
  }
}

</mosaic_0001>

<sc_bundles>
// kernel: kernel.10.cloned.1.call-start
scs
__scs_entry_jumppad:
0x0: {  	(pc) =	sbr.rel $0x88, $3  }
0x1: {  	(tag) =	ssettag $0x0;
	lr =	simm.s32 $0x1  }
0x2: {  	[smem:$0x3F98] =	sst lr;
	_ =	strace $0xD0000000  }
0x3: {  	_ = 	snop  }
0x4: {  	_ = 	snop  }
0x5: {  	_ = 	snop  }
0x6: {  	_ = 	snop  }
0x7: {  	_ = 	snop  }
__scs_overlays_trampoline_lowered:
0x8: {  	[smem:$0x3FA7] =	sst s0  }
0x9: {  	[smem:$0x3FA8] =	sst s1  }
0xa: {  	[smem:$0x3FA9] =	sst s2  }
0xb: {  	[smem:$0x3FAA] =	sst s3  }
0xc: {  	[smem:$0x3FAB] =	sst s4  }
0xd: {  	[smem:$0x3FAC] =	sst s5  }
0xe: {  	[smem:$0x3FAD] =	sst s6  }
0xf: {  	[smem:$0x3FAE] =	sst s7  }
0x10: {  	[smem:$0x3FAF] =	sst s8  }
0x11: {  	[smem:$0x3FB0] =	sst s9;
	s0 =	simm.s32 @!p0 $0x0  }
0x12: {  	s1 =	sld [smem:$0x3F96];
	s0 =	simm.s32 @p0 $0x1  }
0x13: {  	[smem:$0x3FB1] =	sst s0;
	s0 =	simm.s32 @!p1 $0x0  }
0x14: {  	s2 =	sld [smem:$0x3F95];
	s0 =	simm.s32 @p1 $0x1  }
0x15: {  	[smem:$0x3FB2] =	sst s0;
	s0 =	simm.s32 @!p2 $0x0  }
0x16: {  	s3 =	sld [smem:$0x3FDB];
	s0 =	simm.s32 @p2 $0x1  }
0x17: {  	s4 =	simm.s32 $0x1BF5;
	[smem:$0x3FB4] =	sst s0  }
0x18: {  	s0 =	sld [smem:$0x3F97];
	_ =	swait.ge [sflag:s4], $0x0  }
0x19: {  	s7 =	sld [smem:$0x3F98]  }
0x1a: {  	s8 =	sadd.s32 $0xFFFFE003, lr  }
0x1b: {  	s9 =	sadd.s32 $0xFFFFFEF7, lr;
	s5 =	simm.s32 $0xFFFFFFFF;
	p2 =	slt.u32 s8, $0xFFFFF086  }
0x1c: {  	p1 =	slt.u32 s9, $0xF7A;
	s5 =	simm.s32 @!p2 $0x0  }
0x1d: {  	s5 =	simm.s32 @p1 $0x1;
	p0 =	seq.s32 s7, s2  }
0x1e: {  	s7 =	smul.u32 @!p0 $0xF7A, s2;
	p2 =	seq.s32 @!p0 s5, $0x0  }
0x1f: {  	s9 =	smul.u32 $0xF7A, s1;
	s8 =	simm.s32 @!p0 $0x1BF5;
	p2 =	por !p2, p0  }
0x20: {  	[sflag:s8] =	ssyncset.s32 @!p0 $0xFFFFF086;
	s6 =	sadd.s32 @!p0 s3, s7;
	s7 =	simm.s32 @!p0 $0x108  }
0x21: {  	s3 =	sadd.s32 s3, s9;
	s6 =	sadd.s32 @!p0 $0x88, s6;
	s7 =	simm.s32 @p2 $0x1082  }
0x22: {  	[simem:s7], [sflag:s8] =	dma.local @!p0 [hbm:s6], $0xF7A  }
0x23: {  	s9 =	sor.u32 $0xD0000000, s2;
	s6 =	simm.s32 $0x108;
	_ =	swait.ge @!p0 [sflag:s8], $0x0  }
0x24: {  	s3 =	sadd.s32 $0x88, s3;
	s6 =	simm.s32 @!p1 $0x1082;
	[sflag:s4] =	ssyncset.s32 $0xFFFFF086  }
0x25: {  	[simem:s6], [sflag:s4] =	dma.local [hbm:s3], $0xF7A  }
0x26: {  	[smem:$0x3F98] =	sst s1;
	(tag) =	ssettag s2;
	_ =	strace s9  }
0x27: {  	s1 =	sld [smem:$0x3FA8]  }
0x28: {  	s2 =	sld [smem:$0x3FA9]  }
0x29: {  	s4 =	sld [smem:$0x3FAB]  }
0x2a: {  	p0 =	seq.s32 s5, $0x0;
	s5 =	sld [smem:$0x3FAC]  }
0x2b: {  	s6 =	sld [smem:$0x3FAD]  }
0x2c: {  	s7 =	sld [smem:$0x3FAE]  }
0x2d: {  	s3 =	simm.s32 $0x108;
	s8 =	sld [smem:$0x3FAF]  }
0x2e: {  	s3 =	simm.s32 @!p0 $0x1082;
	s9 =	sld [smem:$0x3FB0]  }
0x2f: {  	lr =	sadd.s32 s0, s3;
	s0 =	sld [smem:$0x3FA7]  }
0x30: {  	s3 =	sld [smem:$0x3FAA]  }
0x31: {  	[smem:$0x3FB3] =	sst s10  }
0x32: {  	s10 =	sld [smem:$0x3FB1];
	_ =	sdelay $0x3  }
0x33: {  	p0 =	seq.s32 s10, $0x1;
	s10 =	sld [smem:$0x3FB3];
	_ =	sdelay $0x3  }
0x34: {  	[smem:$0x3FB3] =	sst s10  }
0x35: {  	s10 =	sld [smem:$0x3FB2];
	_ =	sdelay $0x3  }
0x36: {  	p1 =	seq.s32 s10, $0x1;
	s10 =	sld [smem:$0x3FB3];
	_ =	sdelay $0x3  }
0x37: {  	[smem:$0x3FB3] =	sst s10  }
0x38: {  	s10 =	sld [smem:$0x3FB4]  }
0x39: {  	_ = 	snop;
	(pc) =	sbr.ind lr, $3  }
0x3a: {  	_ = 	snop  }
0x3b: {  	_ = 	snop  }
0x3c: {  	p2 =	seq.s32 s10, $0x1;
	s10 =	sld [smem:$0x3FB3]  }
0x3d: {  	_ =	shalt  }
0x3e: {  	_ =	shalt  }
0x3f: {  	_ =	shalt  }
0x40: {  	_ =	shalt  }
0x41: {  	_ =	shalt  }
0x42: {  	_ =	shalt  }
0x43: {  	_ =	shalt  }
0x44: {  	_ =	shalt  }
0x45: {  	_ =	shalt  }
0x46: {  	_ =	shalt  }
0x47: {  	_ =	shalt  }
0x48: {  	_ =	shalt  }
0x49: {  	_ =	shalt  }
0x4a: {  	_ =	shalt  }
0x4b: {  	_ =	shalt  }
0x4c: {  	_ =	shalt  }
0x4d: {  	_ =	shalt  }
0x4e: {  	_ =	shalt  }
0x4f: {  	_ =	shalt  }
0x50: {  	_ =	shalt  }
0x51: {  	_ =	shalt  }
0x52: {  	_ =	shalt  }
0x53: {  	_ =	shalt  }
0x54: {  	_ =	shalt  }
0x55: {  	_ =	shalt  }
0x56: {  	_ =	shalt  }
0x57: {  	_ =	shalt  }
0x58: {  	_ =	shalt  }
0x59: {  	_ =	shalt  }
0x5a: {  	_ =	shalt  }
0x5b: {  	_ =	shalt  }
0x5c: {  	_ =	shalt  }
0x5d: {  	_ =	shalt  }
0x5e: {  	_ =	shalt  }
0x5f: {  	_ =	shalt  }
0x60: {  	_ =	shalt  }
0x61: {  	_ =	shalt  }
0x62: {  	_ =	shalt  }
0x63: {  	_ =	shalt  }
0x64: {  	_ =	shalt  }
0x65: {  	_ =	shalt  }
0x66: {  	_ =	shalt  }
0x67: {  	_ =	shalt  }
0x68: {  	_ =	shalt  }
0x69: {  	_ =	shalt  }
0x6a: {  	_ =	shalt  }
0x6b: {  	_ =	shalt  }
0x6c: {  	_ =	shalt  }
0x6d: {  	_ =	shalt  }
0x6e: {  	_ =	shalt  }
0x6f: {  	_ =	shalt  }
0x70: {  	_ =	shalt  }
0x71: {  	_ =	shalt  }
0x72: {  	_ =	shalt  }
0x73: {  	_ =	shalt  }
0x74: {  	_ =	shalt  }
0x75: {  	_ =	shalt  }
0x76: {  	_ =	shalt  }
0x77: {  	_ =	shalt  }
0x78: {  	_ =	shalt  }
0x79: {  	_ =	shalt  }
0x7a: {  	_ =	shalt  }
0x7b: {  	_ =	shalt  }
0x7c: {  	_ =	shalt  }
0x7d: {  	_ =	shalt  }
0x7e: {  	_ =	shalt  }
0x7f: {  	_ =	shalt  }
0x80: {  	_ =	shalt  }
0x81: {  	_ =	shalt  }
0x82: {  	_ =	shalt  }
0x83: {  	_ =	shalt  }
0x84: {  	_ =	shalt  }
0x85: {  	_ =	shalt  }
0x86: {  	_ =	shalt  }
0x87: {  	_ =	shalt  }
.Lfunc_end0:
.L_simem_size_0:
called_computation.1_lowered:
.L_overlay_start_0:
0x88: {  	s2 =	sld [smem:$0x3FD9]  }
0x89: {  	s3 =	sld [smem:$0x3FFE];
	_ =	sdelay $0x1  }
0x8a: {  	s1 =	srdreg.scid  }
0x8b: {  	s0 =	sand.u32 $0x1, s1  }
0x8c: {  	s16 =	sshll.u32 s0, $0xA;
	s2 =	sadd.s32 s3, s2  }
0x8d: {  	s2 =	sadd.s32 s2, s16  }
0x8e: {  	[smem:$0x3FBF] =	sst s2  }
0x8f: {  	_ = 	snop  }
0x90: {  	(tm) =	ssettm $0x1  }
0x91: {  	s17 =	sld [smem:$0x3FFB];
	_ =	sdelay $0x3  }
0x92: {  	_ =	strace s17  }
0x93: {  	s2 =	sld [smem:$0x3FFC];
	_ =	sdelay $0x3  }
0x94: {  	_ =	strace s2  }
0x95: {  	s2 =	sld [smem:$0x3FFD];
	_ =	sdelay $0x3  }
0x96: {  	_ =	strace s2  }
0x97: {  	_ =	strace $0x8FFFFFFF  }
0x98: {  	s18 =	sld [smem:$0x3FDB];
	_ =	sdelay $0x1  }
0x99: {  	s19 =	simm.s32 $_scs_section_size  }
0x9a: {  	s4 =	simm.s32 $_size__tile_overlayer_lowered;
	s5 =	simm.s32 $_tile_overlayer_lowered  }
0x9b: {  	s22 =	simm.s32 $0x1BFF;
	s21 =	sshll.u32 s5, $0x1;
	s2 =	sadd.s32 s19, s18  }
0x9c: {  	s6 =	simm.s32 $0x0;
	s20 =	sshll.u32 s4, $0x1;
	s4 =	sadd.s32 s21, s2  }
0x9d: {  	[timem:s6], [sflag:s22] =	dma.local [hbm:s4], s20  }
0x9e: {  	_ =	swait.ge [sflag:s22], s20  }
0x9f: {  	s3 =	ssub.s32 $0x0, s20;
	[sflag:s22] =	ssyncset.done $0x0  }
0xa0: {  	[sflag:s22] =	ssyncadd.s32 s3;
	_ =	sdelay $0x1  }
0xa1: {  	s23 =	simm.s32 $0x1B8B  }
0xa2: {  	_ =	swait.ge [sflag:s23], $0x1  }
0xa3: {  	[sflag:s23] =	ssyncset.done $0x0  }
0xa4: {  	s25 =	simm.s32 $0x1B8E;
	s24 =	sld [smem:$0x3FFE];
	[sflag:s23] =	ssyncadd.s32 $0xFFFFFFFF  }
0xa5: {  	s26 =	simm.s32 $execute0_lowered;
	[smem:$0x3FD2] =	sst s25  }
0xa6: {  	s4 =	sshll.u32 s26, $0x1;
	_ =	strace $0x80000049;
	[dreg:$0x1] =	wrdreg $0xFFFFFFFF  }
0xa7: {  	s28 =	simm.s32 $_size_execute0_lowered;
	s2 =	sadd.s32 s2, s4;
	[dreg:$0x0] =	wrdreg $0x0  }
0xa8: {  	s4 =	sshll.u32 s28, $0x1;
	[dreg:$0x2] =	wrdreg s2  }
0xa9: {  	[dreg:$0x3] =	wrdreg s4  }
0xaa: {  	[dreg:$0x4] =	wrdreg $0xC0  }
0xab: {  	_ =	task [dreg:s6], $0x5FFFF  }
0xac: {  	[dreg:$0x1] =	wrdreg $0xFFFFFFFF  }
0xad: {  	[dreg:$0x0] =	wrdreg $0x60  }
0xae: {  	[dreg:$0x2] =	wrdreg s24  }
0xaf: {  	[dreg:$0x3] =	wrdreg $0x0  }
0xb0: {  	[dreg:$0x4] =	wrdreg $0x9  }
0xb1: {  	_ =	task.clear_ibuf [dreg:s6], $0x5FFFF;
	_ =	strace $0x90000049  }
0xb2: {  	s29 =	simm.s32 $0x9;
	_ =	strace $0x8000004B  }
0xb3: {  	_ =	swait.ge [sflag:s29], $0x1  }
0xb4: {  	[sflag:s29] =	ssyncadd.s32 $0xFFFFFFFF  }
0xb5: {  	_ =	strace $0x9000004B  }
0xb6: {  	_ =	sfence  }
0xb7: {  	s30 =	sld [smem:$0x0];
	_ =	sdelay $0x2  }
0xb8: {  	s31 =	sshll.u32 s1, $0xD;
	s1 =	sshrl.u32 s1, $0x2  }
0xb9: {  	s3 =	sand.u32 $0x4000, s31;
	s1 =	sadd.s32 s1, s30  }
0xba: {  	s0 =	sor.u32 s3, s0;
	s1 =	sshll.u32 s1, $0x11  }
0xbb: {  	s0 =	sor.u32 s1, s0  }
0xbc: {  	s0 =	sadd.s32 $0x8F2B, s0  }
0xbd: {  	[sflag:s0] =	ssyncadd.remote.s32 $0x1  }
0xbe: {  	_ =	sfence.sel $0xFFFF  }
0xbf: {  	[dreg:$0x0] =	wrdreg $0xFFFFFFFF;
	(pc) =	sbr.abs _section_cstart, $3  }
0xc0: {  	[dreg:$0x1] =	wrdreg $0xFFFFFFFF  }
0xc1: {  	_ =	task.clear_ibuf [dreg:s6], $0x2FFFF;
	_ =	strace $0x9FFFFFFF  }
0xc2: {  	(tm) =	ssettm $0x7FFFFFFF  }
0xc3: {  	_ =	shalt  }
tec
execute0_lowered:
.L_overlay_start_1:
0x0: {  	(tag) =	ssettag $0x1  }
0x1: {  	s8 =	rddreg [dreg:$0x0]  }
0x2: {  	s2 =	rddreg [dreg:$0x1]  }
0x3: {  	s0 =	rddreg [dreg:$0x2]  }
0x4: {  	s4 =	srdreg.scid;
	s1 =	stileid.u32;
	s3 =	simm.s32 $0x0  }
0x5: {  	s13 =	simm.s32 $0x2;
	s14 =	simm.s32 $0x2780;
	s15 =	simm.s32 $0x2800  }
0x6: {  	s16 =	simm.s32 $0x2880;
	s17 =	simm.s32 $0x80;
	s18 =	simm.s32 $0x2900  }
0x7: {  	s19 =	simm.s32 $0x1;
	s20 =	simm.s32 $0x3900;
	s9 =	sand.u32 $0x1, s4  }
0x8: {  	s10 =	smul.u32 $0x2780, s1;
	[smem:$0x7FF] =	sst s3;
	s4 =	sadd.s32 $0xA00, s8  }
0x9: {  	s5 =	sadd.s32 $0x1E400, s8;
	s6 =	sadd.s32 $0x14600, s8;
	s7 =	smul.u32 $0x27800, s9  }
0xa: {  	_ =	strace $0x8000004A;
	s12 =	ssub.s32 $0x2, s9;
	s9 =	sshll.u32 s9, $0x4  }
0xb: {  	s31 =	sshrl.u32 s12, $0x1;
	s9 =	sor.u32 s1, s9;
	s11 =	sadd.s32 s10, s7  }
0xc: {  	s7 =	sadd.s32 $0xA800, s8;
	s12 =	ssub.s32 s12, s31;
	s11 =	sshrl.u32 s11, $0x3  }
0xd: {  	s9 =	smul.u32 $0x2780, s9;
	s11 =	sadd.s32 s11, s8;
	s8 =	sadd.s32 s10, s2  }
0xe: {  	v0 =	vimm.f32 $0.0e+00;
	s10 =	sadd.s32 $0x28200, s11;
	s11 =	smax.u32 s12, $0x1;
	s12 =	simm.s32 $0x4100  }
.LBB2_1:
0xf: {  	s21 =	simm.s32 $0x40;
	s22 =	simm.s32 $0x0  }
.LBB2_2:
0x10: {  	p0 =	sne.s32 s21, $0x9DC0;
	[tilespmem:s22+$0x4100] =	vst v0;
	s22 =	smov.u32 s21;
	s21 =	sadd.s32 $0x40, s21  }
.Ltmp0:
0x11: {  	(pc) =	sbr.rel @p0 .LBB2_2-.Ltmp0, $2  }
0x12: {  	_ =	sdelay $0x2  }
0x13: {  	s22 =	sshra.s32 s22, $0x2  }
0x14: {  	[tilespmem:s22+$0x4100] =	vst v0  }
0x15: {  	[spmem:s8] =	stream.linear.scatter [tilespmem:s12], [sflag:$0x2], $0x2780, $0x38;
	[tilespmem:$0x6880] =	vst v63  }
0x16: {  	_ =	swait.ge [sflag:s13], $0x2780  }
0x17: {  	[sflag:s13] =	ssyncset.done $0x0  }
0x18: {  	[sflag:s13] =	ssyncadd.s32 $0xFFFFD880  }
0x19: {  	s21 =	simm.s32 $0x0;
	s22 =	simm.s32 $0x0;
	[bflag:$0x0] =	sbarrier.arrive $0xFFFF  }
.LBB2_4:
0x1a: {  	s23 =	sshll.u32 s22, $0x7  }
0x1b: {  	s23 =	sadd.s32 s9, s23  }
0x1c: {  	s23 =	sshrl.u32 s23, $0x3  }
0x1d: {  	s24 =	sadd.s32 s5, s23  }
0x1e: {  	[tilespmem:s14], [sflag:$0x2] =	stream.linear.gather [hbm4b:s24+s21], $0x80, $0x38;
	[tilespmem:$0x6880] =	vst v63  }
0x1f: {  	_ =	swait.ge [sflag:s13], $0x80  }
0x20: {  	[sflag:s13] =	ssyncset.done $0x0  }
0x21: {  	s29 =	sadd.s32 s6, s23;
	[sflag:s13] =	ssyncadd.s32 $0xFFFFFF80  }
0x22: {  	[tilespmem:s15], [sflag:$0x2] =	stream.linear.gather [hbm4b:s29+s21], $0x80, $0x38;
	[tilespmem:$0x6880] =	vst v63  }
0x23: {  	_ =	swait.ge [sflag:s13], $0x80  }
0x24: {  	[sflag:s13] =	ssyncset.done $0x0  }
0x25: {  	s23 =	sadd.s32 s7, s23;
	[sflag:s13] =	ssyncadd.s32 $0xFFFFFF80  }
0x26: {  	[tilespmem:s16], [sflag:$0x2] =	stream.linear.gather [hbm4b:s23+s21], $0x80, $0x38;
	[tilespmem:$0x6880] =	vst v63  }
0x27: {  	_ =	swait.ge [sflag:s13], $0x80  }
0x28: {  	[sflag:s13] =	ssyncset.done $0x0  }
0x29: {  	[sflag:s13] =	ssyncadd.s32 $0xFFFFFF80  }
0x2a: {  	[tilespmem:s18], [sflag:$0x1] =	stream.indirect.gather [hbm4b:s4+s17], $0x20, s14, s17, $0xb8;
	[tilespmem:$0x6880] =	vst v63  }
0x2b: {  	_ =	swait.ge [sflag:s19], $0x1000  }
0x2c: {  	[sflag:s19] =	ssyncset.done $0x0  }
0x2d: {  	s30 =	simm.s32 $0x0;
	[sflag:s19] =	ssyncadd.s32 $0xFFFFF000  }
0x2e: {  	v1 =	vld [tilespmem:s30+$0x2880];
	_ =	sdelay $0x2  }
0x2f: {  	s31 =	simm.s32 $0x2A00  }
0x30: {  	v2 =	vld [tilespmem:s31+$0xFFFFFF10]  }
0x31: {  	v1 =	vmax.f32 v1, $0.0e+00  }
0x32: {  	v3 =	vld [tilespmem:s31+$0xFFFFFF00];
	v1 =	vmin.f32 v1, $1.000000000e+00  }
0x33: {  	v4 =	vbroadcast v1, $0x0;
	_ =	sdelay $0x1  }
0x34: {  	v2 =	vmul.f32 v4, v2;
	_ =	sdelay $0x1  }
0x35: {  	v2 =	vadd.f32 v2, v3  }
0x36: {  	s23 =	simm.s32 $0x3980  }
0x37: {  	[tilespmem:s23+$0xFFFFFF80] =	vst v2  }
0x38: {  	v2 =	vld [tilespmem:s31+$0xFFFFFF30];
	_ =	sdelay $0x1  }
0x39: {  	v3 =	vld [tilespmem:s31+$0xFFFFFF20]  }
0x3a: {  	v50 =	vbroadcast v1, $0x1;
	_ =	sdelay $0x1  }
0x3b: {  	v2 =	vmul.f32 v2, v50;
	_ =	sdelay $0x1  }
0x3c: {  	v2 =	vadd.f32 v2, v3;
	_ =	sdelay $0x1  }
0x3d: {  	[tilespmem:s23+$0xFFFFFF90] =	vst v2  }
0x3e: {  	v2 =	vld [tilespmem:s31+$0xFFFFFF50];
	_ =	sdelay $0x1  }
0x3f: {  	v3 =	vld [tilespmem:s31+$0xFFFFFF40]  }
0x40: {  	v51 =	vbroadcast v1, $0x2;
	_ =	sdelay $0x1  }
0x41: {  	v2 =	vmul.f32 v2, v51;
	_ =	sdelay $0x1  }
0x42: {  	v2 =	vadd.f32 v2, v3;
	_ =	sdelay $0x1  }
0x43: {  	[tilespmem:s23+$0xFFFFFFA0] =	vst v2  }
0x44: {  	v2 =	vld [tilespmem:s31+$0xFFFFFF70];
	_ =	sdelay $0x1  }
0x45: {  	v3 =	vld [tilespmem:s31+$0xFFFFFF60]  }
0x46: {  	v52 =	vbroadcast v1, $0x3;
	_ =	sdelay $0x1  }
0x47: {  	v2 =	vmul.f32 v2, v52;
	_ =	sdelay $0x1  }
0x48: {  	v2 =	vadd.f32 v2, v3;
	_ =	sdelay $0x1  }
0x49: {  	[tilespmem:s23+$0xFFFFFFB0] =	vst v2  }
0x4a: {  	v2 =	vld [tilespmem:s31+$0xFFFFFF90];
	_ =	sdelay $0x1  }
0x4b: {  	v3 =	vld [tilespmem:s31+$0xFFFFFF80]  }
0x4c: {  	v53 =	vbroadcast v1, $0x4;
	_ =	sdelay $0x1  }
0x4d: {  	v2 =	vmul.f32 v2, v53;
	_ =	sdelay $0x1  }
0x4e: {  	v2 =	vadd.f32 v2, v3;
	_ =	sdelay $0x1  }
0x4f: {  	[tilespmem:s23+$0xFFFFFFC0] =	vst v2  }
0x50: {  	v2 =	vld [tilespmem:s31+$0xFFFFFFB0];
	_ =	sdelay $0x1  }
0x51: {  	v3 =	vld [tilespmem:s31+$0xFFFFFFA0]  }
0x52: {  	v54 =	vbroadcast v1, $0x5;
	_ =	sdelay $0x1  }
0x53: {  	v2 =	vmul.f32 v2, v54;
	_ =	sdelay $0x1  }
0x54: {  	v2 =	vadd.f32 v2, v3;
	_ =	sdelay $0x1  }
0x55: {  	[tilespmem:s23+$0xFFFFFFD0] =	vst v2  }
0x56: {  	v2 =	vld [tilespmem:s31+$0xFFFFFFD0];
	_ =	sdelay $0x1  }
0x57: {  	v3 =	vld [tilespmem:s31+$0xFFFFFFC0]  }
0x58: {  	v55 =	vbroadcast v1, $0x6;
	_ =	sdelay $0x1  }
0x59: {  	v2 =	vmul.f32 v2, v55;
	_ =	sdelay $0x1  }
0x5a: {  	v2 =	vadd.f32 v2, v3;
	_ =	sdelay $0x1  }
0x5b: {  	[tilespmem:s23+$0xFFFFFFE0] =	vst v2  }
0x5c: {  	v2 =	vld [tilespmem:s31+$0xFFFFFFF0];
	_ =	sdelay $0x1  }
0x5d: {  	v3 =	vld [tilespmem:s31+$0xFFFFFFE0]  }
0x5e: {  	v56 =	vbroadcast v1, $0x7;
	_ =	sdelay $0x1  }
0x5f: {  	v2 =	vmul.f32 v2, v56;
	_ =	sdelay $0x1  }
0x60: {  	v2 =	vadd.f32 v2, v3;
	_ =	sdelay $0x1  }
0x61: {  	[tilespmem:s23+$0xFFFFFFF0] =	vst v2  }
0x62: {  	v2 =	vld [tilespmem:s31+$0x10];
	_ =	sdelay $0x1  }
0x63: {  	v3 =	vld [tilespmem:s31+$0x0]  }
0x64: {  	v57 =	vbroadcast v1, $0x8;
	_ =	sdelay $0x1  }
0x65: {  	v2 =	vmul.f32 v2, v57;
	_ =	sdelay $0x1  }
0x66: {  	v2 =	vadd.f32 v2, v3;
	_ =	sdelay $0x1  }
0x67: {  	[tilespmem:s23+$0x0] =	vst v2  }
0x68: {  	v2 =	vld [tilespmem:s31+$0x30];
	_ =	sdelay $0x1  }
0x69: {  	v3 =	vld [tilespmem:s31+$0x20]  }
0x6a: {  	v58 =	vbroadcast v1, $0x9;
	_ =	sdelay $0x1  }
0x6b: {  	v2 =	vmul.f32 v2, v58;
	_ =	sdelay $0x1  }
0x6c: {  	v2 =	vadd.f32 v2, v3;
	_ =	sdelay $0x1  }
0x6d: {  	[tilespmem:s23+$0x10] =	vst v2  }
0x6e: {  	v2 =	vld [tilespmem:s31+$0x50];
	_ =	sdelay $0x1  }
0x6f: {  	v3 =	vld [tilespmem:s31+$0x40]  }
0x70: {  	v59 =	vbroadcast v1, $0xA;
	_ =	sdelay $0x1  }
0x71: {  	v2 =	vmul.f32 v2, v59;
	_ =	sdelay $0x1  }
0x72: {  	v2 =	vadd.f32 v2, v3;
	_ =	sdelay $0x1  }
0x73: {  	[tilespmem:s23+$0x20] =	vst v2  }
0x74: {  	v2 =	vld [tilespmem:s31+$0x70];
	_ =	sdelay $0x1  }
0x75: {  	v3 =	vld [tilespmem:s31+$0x60]  }
0x76: {  	v60 =	vbroadcast v1, $0xB;
	_ =	sdelay $0x1  }
0x77: {  	v2 =	vmul.f32 v2, v60;
	_ =	sdelay $0x1  }
0x78: {  	v2 =	vadd.f32 v2, v3;
	_ =	sdelay $0x1  }
0x79: {  	[tilespmem:s23+$0x30] =	vst v2  }
0x7a: {  	v2 =	vld [tilespmem:s31+$0x90];
	_ =	sdelay $0x1  }
0x7b: {  	v3 =	vld [tilespmem:s31+$0x80]  }
0x7c: {  	v61 =	vbroadcast v1, $0xC;
	_ =	sdelay $0x1  }
0x7d: {  	v2 =	vmul.f32 v2, v61;
	_ =	sdelay $0x1  }
0x7e: {  	v2 =	vadd.f32 v2, v3;
	_ =	sdelay $0x1  }
0x7f: {  	[tilespmem:s23+$0x40] =	vst v2  }
0x80: {  	v2 =	vld [tilespmem:s31+$0xB0];
	_ =	sdelay $0x1  }
0x81: {  	v3 =	vld [tilespmem:s31+$0xA0]  }
0x82: {  	v62 =	vbroadcast v1, $0xD;
	_ =	sdelay $0x1  }
0x83: {  	v2 =	vmul.f32 v2, v62;
	_ =	sdelay $0x1  }
0x84: {  	v2 =	vadd.f32 v2, v3;
	_ =	sdelay $0x1  }
0x85: {  	[tilespmem:s23+$0x50] =	vst v2  }
0x86: {  	v2 =	vld [tilespmem:s31+$0xD0];
	_ =	sdelay $0x1  }
0x87: {  	v3 =	vld [tilespmem:s31+$0xC0]  }
0x88: {  	v63 =	vbroadcast v1, $0xE;
	_ =	sdelay $0x1  }
0x89: {  	v2 =	vmul.f32 v2, v63;
	_ =	sdelay $0x1  }
0x8a: {  	v2 =	vadd.f32 v2, v3;
	_ =	sdelay $0x1  }
0x8b: {  	[tilespmem:s23+$0x60] =	vst v2  }
0x8c: {  	v2 =	vld [tilespmem:s31+$0xF0];
	_ =	sdelay $0x1  }
0x8d: {  	v3 =	vld [tilespmem:s31+$0xE0]  }
0x8e: {  	v1 =	vbroadcast v1, $0xF;
	_ =	sdelay $0x1  }
0x8f: {  	v1 =	vmul.f32 v2, v1;
	_ =	sdelay $0x1  }
0x90: {  	s25 =	simm.s32 $0x40;
	s28 =	simm.s32 $0x80;
	s24 =	simm.s32 $0x2C00;
	v1 =	vadd.f32 v1, v3  }
.LBB2_5:
0x91: {  	s29 =	sshra.s32 s25, $0x2  }
0x92: {  	[tilespmem:s23+$0x70] =	vst v1;
	s23 =	sadd.s32 $0x100, s23;
	s25 =	smov.u32 s28;
	s26 =	sadd.s32 $0x40, s28  }
0x93: {  	p0 =	sne.s32 s28, $0x1C0;
	v1 =	vld [tilespmem:s29+$0x2880];
	_ =	sdelay $0x3  }
0x94: {  	v2 =	vld [tilespmem:s24+$0xFFFFFF10]  }
0x95: {  	v1 =	vmax.f32 v1, $0.0e+00  }
0x96: {  	v1 =	vmin.f32 v1, $1.000000000e+00;
	v3 =	vld [tilespmem:s24+$0xFFFFFF00]  }
0x97: {  	v4 =	vbroadcast v1, $0x0;
	_ =	sdelay $0x1  }
0x98: {  	v2 =	vmul.f32 v4, v2;
	_ =	sdelay $0x1  }
0x99: {  	v2 =	vadd.f32 v2, v3;
	_ =	sdelay $0x1  }
0x9a: {  	[tilespmem:s23+$0xFFFFFF80] =	vst v2  }
0x9b: {  	v2 =	vld [tilespmem:s24+$0xFFFFFF30];
	_ =	sdelay $0x1  }
0x9c: {  	v3 =	vld [tilespmem:s24+$0xFFFFFF20]  }
0x9d: {  	v4 =	vbroadcast v1, $0x1;
	_ =	sdelay $0x1  }
0x9e: {  	v2 =	vmul.f32 v2, v4;
	_ =	sdelay $0x1  }
0x9f: {  	v2 =	vadd.f32 v2, v3;
	_ =	sdelay $0x1  }
0xa0: {  	[tilespmem:s23+$0xFFFFFF90] =	vst v2  }
0xa1: {  	v2 =	vld [tilespmem:s24+$0xFFFFFF50];
	_ =	sdelay $0x1  }
0xa2: {  	v3 =	vld [tilespmem:s24+$0xFFFFFF40]  }
0xa3: {  	v4 =	vbroadcast v1, $0x2;
	_ =	sdelay $0x1  }
0xa4: {  	v2 =	vmul.f32 v2, v4;
	_ =	sdelay $0x1  }
0xa5: {  	v2 =	vadd.f32 v2, v3;
	_ =	sdelay $0x1  }
0xa6: {  	[tilespmem:s23+$0xFFFFFFA0] =	vst v2  }
0xa7: {  	v2 =	vld [tilespmem:s24+$0xFFFFFF70];
	_ =	sdelay $0x1  }
0xa8: {  	v3 =	vld [tilespmem:s24+$0xFFFFFF60]  }
0xa9: {  	v4 =	vbroadcast v1, $0x3;
	_ =	sdelay $0x1  }
0xaa: {  	v2 =	vmul.f32 v2, v4;
	_ =	sdelay $0x1  }
0xab: {  	v2 =	vadd.f32 v2, v3;
	_ =	sdelay $0x1  }
0xac: {  	[tilespmem:s23+$0xFFFFFFB0] =	vst v2  }
0xad: {  	v2 =	vld [tilespmem:s24+$0xFFFFFF90];
	_ =	sdelay $0x1  }
0xae: {  	v3 =	vld [tilespmem:s24+$0xFFFFFF80]  }
0xaf: {  	v4 =	vbroadcast v1, $0x4;
	_ =	sdelay $0x1  }
0xb0: {  	v2 =	vmul.f32 v2, v4;
	_ =	sdelay $0x1  }
0xb1: {  	v2 =	vadd.f32 v2, v3;
	_ =	sdelay $0x1  }
0xb2: {  	[tilespmem:s23+$0xFFFFFFC0] =	vst v2  }
0xb3: {  	v2 =	vld [tilespmem:s24+$0xFFFFFFB0];
	_ =	sdelay $0x1  }
0xb4: {  	v3 =	vld [tilespmem:s24+$0xFFFFFFA0]  }
0xb5: {  	v4 =	vbroadcast v1, $0x5;
	_ =	sdelay $0x1  }
0xb6: {  	v2 =	vmul.f32 v2, v4;
	_ =	sdelay $0x1  }
0xb7: {  	v2 =	vadd.f32 v2, v3;
	_ =	sdelay $0x1  }
0xb8: {  	[tilespmem:s23+$0xFFFFFFD0] =	vst v2  }
0xb9: {  	v2 =	vld [tilespmem:s24+$0xFFFFFFD0];
	_ =	sdelay $0x1  }
0xba: {  	v3 =	vld [tilespmem:s24+$0xFFFFFFC0]  }
0xbb: {  	v4 =	vbroadcast v1, $0x6;
	_ =	sdelay $0x1  }
0xbc: {  	v2 =	vmul.f32 v2, v4;
	_ =	sdelay $0x1  }
0xbd: {  	v2 =	vadd.f32 v2, v3;
	_ =	sdelay $0x1  }
0xbe: {  	[tilespmem:s23+$0xFFFFFFE0] =	vst v2  }
0xbf: {  	v2 =	vld [tilespmem:s24+$0xFFFFFFF0];
	_ =	sdelay $0x1  }
0xc0: {  	v3 =	vld [tilespmem:s24+$0xFFFFFFE0]  }
0xc1: {  	v4 =	vbroadcast v1, $0x7;
	_ =	sdelay $0x1  }
0xc2: {  	v2 =	vmul.f32 v2, v4;
	_ =	sdelay $0x1  }
0xc3: {  	v2 =	vadd.f32 v2, v3;
	_ =	sdelay $0x1  }
0xc4: {  	[tilespmem:s23+$0xFFFFFFF0] =	vst v2  }
0xc5: {  	v2 =	vld [tilespmem:s24+$0x10];
	_ =	sdelay $0x1  }
0xc6: {  	v3 =	vld [tilespmem:s24+$0x0]  }
0xc7: {  	v4 =	vbroadcast v1, $0x8;
	_ =	sdelay $0x1  }
0xc8: {  	v2 =	vmul.f32 v2, v4;
	_ =	sdelay $0x1  }
0xc9: {  	v2 =	vadd.f32 v2, v3;
	_ =	sdelay $0x1  }
0xca: {  	[tilespmem:s23+$0x0] =	vst v2  }
0xcb: {  	v2 =	vld [tilespmem:s24+$0x30]  }
0xcc: {  	v3 =	vld [tilespmem:s24+$0x20];
	_ =	sdelay $0x1  }
0xcd: {  	v4 =	vbroadcast v1, $0x9;
	_ =	sdelay $0x1  }
0xce: {  	v2 =	vmul.f32 v2, v4;
	_ =	sdelay $0x1  }
0xcf: {  	v2 =	vadd.f32 v2, v3;
	_ =	sdelay $0x1  }
0xd0: {  	[tilespmem:s23+$0x10] =	vst v2  }
0xd1: {  	v2 =	vld [tilespmem:s24+$0x50]  }
0xd2: {  	v3 =	vld [tilespmem:s24+$0x40];
	_ =	sdelay $0x1  }
0xd3: {  	v4 =	vbroadcast v1, $0xA;
	_ =	sdelay $0x1  }
0xd4: {  	v2 =	vmul.f32 v2, v4;
	_ =	sdelay $0x1  }
0xd5: {  	v2 =	vadd.f32 v2, v3;
	_ =	sdelay $0x1  }
0xd6: {  	[tilespmem:s23+$0x20] =	vst v2  }
0xd7: {  	v2 =	vld [tilespmem:s24+$0x70]  }
0xd8: {  	v3 =	vld [tilespmem:s24+$0x60];
	_ =	sdelay $0x1  }
0xd9: {  	v4 =	vbroadcast v1, $0xB;
	_ =	sdelay $0x1  }
0xda: {  	v2 =	vmul.f32 v2, v4;
	_ =	sdelay $0x1  }
0xdb: {  	v2 =	vadd.f32 v2, v3;
	_ =	sdelay $0x1  }
0xdc: {  	[tilespmem:s23+$0x30] =	vst v2  }
0xdd: {  	v2 =	vld [tilespmem:s24+$0x90]  }
0xde: {  	v3 =	vld [tilespmem:s24+$0x80];
	_ =	sdelay $0x1  }
0xdf: {  	v4 =	vbroadcast v1, $0xC;
	_ =	sdelay $0x1  }
0xe0: {  	v2 =	vmul.f32 v2, v4;
	_ =	sdelay $0x1  }
0xe1: {  	v2 =	vadd.f32 v2, v3;
	_ =	sdelay $0x1  }
0xe2: {  	[tilespmem:s23+$0x40] =	vst v2  }
0xe3: {  	v2 =	vld [tilespmem:s24+$0xB0]  }
0xe4: {  	v3 =	vld [tilespmem:s24+$0xA0];
	_ =	sdelay $0x1  }
0xe5: {  	v4 =	vbroadcast v1, $0xD;
	_ =	sdelay $0x1  }
0xe6: {  	v2 =	vmul.f32 v2, v4;
	_ =	sdelay $0x1  }
0xe7: {  	v2 =	vadd.f32 v2, v3;
	_ =	sdelay $0x1  }
0xe8: {  	[tilespmem:s23+$0x50] =	vst v2  }
0xe9: {  	v2 =	vld [tilespmem:s24+$0xD0]  }
0xea: {  	v3 =	vld [tilespmem:s24+$0xC0];
	_ =	sdelay $0x1  }
0xeb: {  	v4 =	vbroadcast v1, $0xE;
	_ =	sdelay $0x1  }
0xec: {  	v2 =	vmul.f32 v2, v4;
	_ =	sdelay $0x1  }
0xed: {  	v2 =	vadd.f32 v2, v3;
	_ =	sdelay $0x1  }
0xee: {  	[tilespmem:s23+$0x60] =	vst v2  }
0xef: {  	v2 =	vld [tilespmem:s24+$0xF0]  }
0xf0: {  	v3 =	vld [tilespmem:s24+$0xE0];
	_ =	sdelay $0x1  }
0xf1: {  	v1 =	vbroadcast v1, $0xF  }
.Ltmp1:
0xf2: {  	(pc) =	sbr.rel @p0 .LBB2_5-.Ltmp1, $3  }
0xf3: {  	v1 =	vmul.f32 v2, v1;
	_ =	sdelay $0x1  }
0xf4: {  	v1 =	vadd.f32 v1, v3  }
0xf5: {  	s28 =	smov.u32 s26;
	s24 =	sadd.s32 $0x200, s24  }
0xf6: {  	s25 =	sshra.s32 s25, $0x2;
	[tilespmem:s23+$0x70] =	vst v1  }
0xf7: {  	v1 =	vld [tilespmem:s25+$0x2880];
	_ =	sdelay $0x3  }
0xf8: {  	v2 =	vld [tilespmem:s24+$0xFFFFFF10]  }
0xf9: {  	v1 =	vmax.f32 v1, $0.0e+00  }
0xfa: {  	v3 =	vld [tilespmem:s24+$0xFFFFFF00];
	v1 =	vmin.f32 v1, $1.000000000e+00  }
0xfb: {  	v4 =	vbroadcast v1, $0x0;
	_ =	sdelay $0x1  }
0xfc: {  	v2 =	vmul.f32 v4, v2;
	_ =	sdelay $0x1  }
0xfd: {  	v2 =	vadd.f32 v2, v3  }
0xfe: {  	s31 =	sadd.s32 $0x100, s23  }
0xff: {  	[tilespmem:s31+$0xFFFFFF80] =	vst v2  }
0x100: {  	v2 =	vld [tilespmem:s24+$0xFFFFFF30];
	_ =	sdelay $0x1  }
0x101: {  	v3 =	vld [tilespmem:s24+$0xFFFFFF20]  }
0x102: {  	v50 =	vbroadcast v1, $0x1;
	_ =	sdelay $0x1  }
0x103: {  	v2 =	vmul.f32 v2, v50;
	_ =	sdelay $0x1  }
0x104: {  	v2 =	vadd.f32 v2, v3;
	_ =	sdelay $0x1  }
0x105: {  	[tilespmem:s31+$0xFFFFFF90] =	vst v2  }
0x106: {  	v2 =	vld [tilespmem:s24+$0xFFFFFF50];
	_ =	sdelay $0x1  }
0x107: {  	v3 =	vld [tilespmem:s24+$0xFFFFFF40]  }
0x108: {  	v51 =	vbroadcast v1, $0x2;
	_ =	sdelay $0x1  }
0x109: {  	v2 =	vmul.f32 v2, v51;
	_ =	sdelay $0x1  }
0x10a: {  	v2 =	vadd.f32 v2, v3;
	_ =	sdelay $0x1  }
0x10b: {  	[tilespmem:s31+$0xFFFFFFA0] =	vst v2  }
0x10c: {  	v2 =	vld [tilespmem:s24+$0xFFFFFF70];
	_ =	sdelay $0x1  }
0x10d: {  	v3 =	vld [tilespmem:s24+$0xFFFFFF60]  }
0x10e: {  	v52 =	vbroadcast v1, $0x3;
	_ =	sdelay $0x1  }
0x10f: {  	v2 =	vmul.f32 v2, v52;
	_ =	sdelay $0x1  }
0x110: {  	v2 =	vadd.f32 v2, v3;
	_ =	sdelay $0x1  }
0x111: {  	[tilespmem:s31+$0xFFFFFFB0] =	vst v2  }
0x112: {  	v2 =	vld [tilespmem:s24+$0xFFFFFF90];
	_ =	sdelay $0x1  }
0x113: {  	v3 =	vld [tilespmem:s24+$0xFFFFFF80]  }
0x114: {  	v53 =	vbroadcast v1, $0x4;
	_ =	sdelay $0x1  }
0x115: {  	v2 =	vmul.f32 v2, v53;
	_ =	sdelay $0x1  }
0x116: {  	v2 =	vadd.f32 v2, v3;
	_ =	sdelay $0x1  }
0x117: {  	[tilespmem:s31+$0xFFFFFFC0] =	vst v2  }
0x118: {  	v2 =	vld [tilespmem:s24+$0xFFFFFFB0];
	_ =	sdelay $0x1  }
0x119: {  	v3 =	vld [tilespmem:s24+$0xFFFFFFA0]  }
0x11a: {  	v54 =	vbroadcast v1, $0x5;
	_ =	sdelay $0x1  }
0x11b: {  	v2 =	vmul.f32 v2, v54;
	_ =	sdelay $0x1  }
0x11c: {  	v2 =	vadd.f32 v2, v3;
	_ =	sdelay $0x1  }
0x11d: {  	[tilespmem:s31+$0xFFFFFFD0] =	vst v2  }
0x11e: {  	v2 =	vld [tilespmem:s24+$0xFFFFFFD0];
	_ =	sdelay $0x1  }
0x11f: {  	v3 =	vld [tilespmem:s24+$0xFFFFFFC0]  }
0x120: {  	v55 =	vbroadcast v1, $0x6;
	_ =	sdelay $0x1  }
0x121: {  	v2 =	vmul.f32 v2, v55;
	_ =	sdelay $0x1  }
0x122: {  	v2 =	vadd.f32 v2, v3;
	_ =	sdelay $0x1  }
0x123: {  	[tilespmem:s31+$0xFFFFFFE0] =	vst v2  }
0x124: {  	v2 =	vld [tilespmem:s24+$0xFFFFFFF0];
	_ =	sdelay $0x1  }
0x125: {  	v3 =	vld [tilespmem:s24+$0xFFFFFFE0]  }
0x126: {  	v56 =	vbroadcast v1, $0x7;
	_ =	sdelay $0x1  }
0x127: {  	v2 =	vmul.f32 v2, v56;
	_ =	sdelay $0x1  }
0x128: {  	v2 =	vadd.f32 v2, v3;
	_ =	sdelay $0x1  }
0x129: {  	[tilespmem:s31+$0xFFFFFFF0] =	vst v2  }
0x12a: {  	v2 =	vld [tilespmem:s24+$0x10];
	_ =	sdelay $0x1  }
0x12b: {  	v3 =	vld [tilespmem:s24+$0x0]  }
0x12c: {  	v57 =	vbroadcast v1, $0x8;
	_ =	sdelay $0x1  }
0x12d: {  	v2 =	vmul.f32 v2, v57;
	_ =	sdelay $0x1  }
0x12e: {  	v2 =	vadd.f32 v2, v3;
	_ =	sdelay $0x1  }
0x12f: {  	[tilespmem:s31+$0x0] =	vst v2  }
0x130: {  	v2 =	vld [tilespmem:s24+$0x30];
	_ =	sdelay $0x1  }
0x131: {  	v3 =	vld [tilespmem:s24+$0x20]  }
0x132: {  	v58 =	vbroadcast v1, $0x9;
	_ =	sdelay $0x1  }
0x133: {  	v2 =	vmul.f32 v2, v58;
	_ =	sdelay $0x1  }
0x134: {  	v2 =	vadd.f32 v2, v3;
	_ =	sdelay $0x1  }
0x135: {  	[tilespmem:s31+$0x10] =	vst v2  }
0x136: {  	v2 =	vld [tilespmem:s24+$0x50];
	_ =	sdelay $0x1  }
0x137: {  	v3 =	vld [tilespmem:s24+$0x40]  }
0x138: {  	v59 =	vbroadcast v1, $0xA;
	_ =	sdelay $0x1  }
0x139: {  	v2 =	vmul.f32 v2, v59;
	_ =	sdelay $0x1  }
0x13a: {  	v2 =	vadd.f32 v2, v3;
	_ =	sdelay $0x1  }
0x13b: {  	[tilespmem:s31+$0x20] =	vst v2  }
0x13c: {  	v2 =	vld [tilespmem:s24+$0x70];
	_ =	sdelay $0x1  }
0x13d: {  	v3 =	vld [tilespmem:s24+$0x60]  }
0x13e: {  	v60 =	vbroadcast v1, $0xB;
	_ =	sdelay $0x1  }
0x13f: {  	v2 =	vmul.f32 v2, v60;
	_ =	sdelay $0x1  }
0x140: {  	v2 =	vadd.f32 v2, v3;
	_ =	sdelay $0x1  }
0x141: {  	[tilespmem:s31+$0x30] =	vst v2  }
0x142: {  	v2 =	vld [tilespmem:s24+$0x90];
	_ =	sdelay $0x1  }
0x143: {  	v3 =	vld [tilespmem:s24+$0x80]  }
0x144: {  	v61 =	vbroadcast v1, $0xC;
	_ =	sdelay $0x1  }
0x145: {  	v2 =	vmul.f32 v2, v61;
	_ =	sdelay $0x1  }
0x146: {  	v2 =	vadd.f32 v2, v3;
	_ =	sdelay $0x1  }
0x147: {  	[tilespmem:s31+$0x40] =	vst v2  }
0x148: {  	v2 =	vld [tilespmem:s24+$0xB0];
	_ =	sdelay $0x1  }
0x149: {  	v3 =	vld [tilespmem:s24+$0xA0]  }
0x14a: {  	v62 =	vbroadcast v1, $0xD;
	_ =	sdelay $0x1  }
0x14b: {  	v2 =	vmul.f32 v2, v62;
	_ =	sdelay $0x1  }
0x14c: {  	v2 =	vadd.f32 v2, v3;
	_ =	sdelay $0x1  }
0x14d: {  	[tilespmem:s31+$0x50] =	vst v2  }
0x14e: {  	v2 =	vld [tilespmem:s24+$0xD0];
	_ =	sdelay $0x1  }
0x14f: {  	v3 =	vld [tilespmem:s24+$0xC0]  }
0x150: {  	v63 =	vbroadcast v1, $0xE;
	_ =	sdelay $0x1  }
0x151: {  	v2 =	vmul.f32 v2, v63;
	_ =	sdelay $0x1  }
0x152: {  	v2 =	vadd.f32 v2, v3;
	_ =	sdelay $0x1  }
0x153: {  	[tilespmem:s31+$0x60] =	vst v2  }
0x154: {  	v2 =	vld [tilespmem:s24+$0xF0];
	_ =	sdelay $0x1  }
0x155: {  	v3 =	vld [tilespmem:s24+$0xE0]  }
0x156: {  	v1 =	vbroadcast v1, $0xF;
	_ =	sdelay $0x1  }
0x157: {  	v1 =	vmul.f32 v2, v1;
	_ =	sdelay $0x1  }
0x158: {  	s22 =	sadd.s32 $0x1, s22;
	v1 =	vadd.f32 v1, v3  }
0x159: {  	p0 =	sne.s32 s22, $0x4F  }
.Ltmp2:
0x15a: {  	[tilespmem:s31+$0x70] =	vst v1;
	(pc) =	sbr.rel @p0 .LBB2_4-.Ltmp2, $4  }
0x15b: {  	[spmem:s2] =	stream.indirect.scatter.add.f32 [tilespmem:s20], [sflag:$0x2], $0x10, s15, s17, $0xb8;
	[tilespmem:$0x6880] =	vst v63  }
0x15c: {  	_ =	swait.ge [sflag:s13], $0x800  }
0x15d: {  	[sflag:s13] =	ssyncset.done $0x0  }
0x15e: {  	[sflag:s13] =	ssyncadd.s32 $0xFFFFF800  }
0x15f: {  	s3 =	sadd.s32 $0x1, s3  }
0x160: {  	s21 =	sshll.u32 s1, $0x6;
	[bflag:$0x0] =	sbarrier.arrive $0xFFFF;
	p0 =	sne.s32 s3, s11  }
.Ltmp3:
0x161: {  	s22 =	sshrl.u32 s8, $0x3;
	s21 =	sor.u32 $0x1C02, s21;
	(pc) =	sbr.rel @p0 .LBB2_1-.Ltmp3, $4  }
0x162: {  	[hbm:s10], [sflag:s21] =	dma.local [spmem:s22], $0x4F0  }
0x163: {  	_ =	swait.ge [sflag:s13], $0x4F0  }
0x164: {  	[sflag:s13] =	ssyncset.done $0x0  }
0x165: {  	[sflag:s13] =	ssyncadd.s32 $0xFFFFFB10  }
0x166: {  	_ =	sfence.sel $0x180000  }
0x167: {  	[bflag:$0x0] =	sbarrier.arrive $0xFFFF  }
0x168: {  	p0 =	sne.s32 s1, $0x0;
	_ =	strace $0x9000004A  }
0x169: {  	s0 =	sadd.s32 @!p0 $0x100000, s0;
	[bflag:$0x2] =	sbarrier.arrive $0xFFFF  }
0x16a: {  	[sflag:s0] =	ssyncadd.tile.s32 @!p0 $0x1;
	_ =	shalt  }
.Lfunc_end2:
_tile_overlayer_lowered:
.L_overlay_start_2:
0x16b: {  	(tag) =	ssettag $0x2  }
0x16c: {  	s0 =	rddreg [dreg:$0x0];
	s2 =	stileid.u32  }
0x16d: {  	s1 =	rddreg [dreg:$0x1];
	p0 =	sne.s32 s2, $0x0  }
0x16e: {  	s3 =	rddreg [dreg:$0x2];
	[bflag:$0x3] =	sbarrier.arrive $0xFFFF;
	s2 =	simm.s32 @!p0 $0x1C02  }
0x16f: {  	[timem:s3], [sflag:s2] =	dma.local @!p0 [hbm:s0], s1  }
0x170: {  	s0 =	simm.s32 @!p0 $0x2  }
0x171: {  	_ =	swait.ge @!p0 [sflag:s0], s1  }
0x172: {  	s1 =	ssub.s32 @!p0 $0x0, s1;
	[sflag:s0] =	ssyncset.done @!p0 $0x0  }
0x173: {  	[sflag:s0] =	ssyncadd.s32 @!p0 s1  }
0x174: {  	[bflag:$0x3] =	sbarrier.arrive $0xFFFF  }
0x175: {  	_ =	shalt  }

// kernel: kernel.7.cloned.1.call-start
scs
__scs_entry_jumppad:
0x0: {  	(pc) =	sbr.rel $0x88, $3  }
0x1: {  	(tag) =	ssettag $0x0;
	lr =	simm.s32 $0x1  }
0x2: {  	[smem:$0x3F98] =	sst lr;
	_ =	strace $0xD0000000  }
0x3: {  	_ = 	snop  }
0x4: {  	_ = 	snop  }
0x5: {  	_ = 	snop  }
0x6: {  	_ = 	snop  }
0x7: {  	_ = 	snop  }
__scs_overlays_trampoline_lowered:
0x8: {  	[smem:$0x3FA7] =	sst s0  }
0x9: {  	[smem:$0x3FA8] =	sst s1  }
0xa: {  	[smem:$0x3FA9] =	sst s2  }
0xb: {  	[smem:$0x3FAA] =	sst s3  }
0xc: {  	[smem:$0x3FAB] =	sst s4  }
0xd: {  	[smem:$0x3FAC] =	sst s5  }
0xe: {  	[smem:$0x3FAD] =	sst s6  }
0xf: {  	[smem:$0x3FAE] =	sst s7  }
0x10: {  	[smem:$0x3FAF] =	sst s8  }
0x11: {  	[smem:$0x3FB0] =	sst s9;
	s0 =	simm.s32 @!p0 $0x0  }
0x12: {  	s1 =	sld [smem:$0x3F96];
	s0 =	simm.s32 @p0 $0x1  }
0x13: {  	[smem:$0x3FB1] =	sst s0;
	s0 =	simm.s32 @!p1 $0x0  }
0x14: {  	s2 =	sld [smem:$0x3F95];
	s0 =	simm.s32 @p1 $0x1  }
0x15: {  	[smem:$0x3FB2] =	sst s0;
	s0 =	simm.s32 @!p2 $0x0  }
0x16: {  	s3 =	sld [smem:$0x3FDB];
	s0 =	simm.s32 @p2 $0x1  }
0x17: {  	s4 =	simm.s32 $0x1BF5;
	[smem:$0x3FB4] =	sst s0  }
0x18: {  	s0 =	sld [smem:$0x3F97];
	_ =	swait.ge [sflag:s4], $0x0  }
0x19: {  	s7 =	sld [smem:$0x3F98]  }
0x1a: {  	s8 =	sadd.s32 $0xFFFFE003, lr  }
0x1b: {  	s9 =	sadd.s32 $0xFFFFFEF7, lr;
	s5 =	simm.s32 $0xFFFFFFFF;
	p2 =	slt.u32 s8, $0xFFFFF086  }
0x1c: {  	p1 =	slt.u32 s9, $0xF7A;
	s5 =	simm.s32 @!p2 $0x0  }
0x1d: {  	s5 =	simm.s32 @p1 $0x1;
	p0 =	seq.s32 s7, s2  }
0x1e: {  	s7 =	smul.u32 @!p0 $0xF7A, s2;
	p2 =	seq.s32 @!p0 s5, $0x0  }
0x1f: {  	s9 =	smul.u32 $0xF7A, s1;
	s8 =	simm.s32 @!p0 $0x1BF5;
	p2 =	por !p2, p0  }
0x20: {  	[sflag:s8] =	ssyncset.s32 @!p0 $0xFFFFF086;
	s6 =	sadd.s32 @!p0 s3, s7;
	s7 =	simm.s32 @!p0 $0x108  }
0x21: {  	s3 =	sadd.s32 s3, s9;
	s6 =	sadd.s32 @!p0 $0x88, s6;
	s7 =	simm.s32 @p2 $0x1082  }
0x22: {  	[simem:s7], [sflag:s8] =	dma.local @!p0 [hbm:s6], $0xF7A  }
0x23: {  	s9 =	sor.u32 $0xD0000000, s2;
	s6 =	simm.s32 $0x108;
	_ =	swait.ge @!p0 [sflag:s8], $0x0  }
0x24: {  	s3 =	sadd.s32 $0x88, s3;
	s6 =	simm.s32 @!p1 $0x1082;
	[sflag:s4] =	ssyncset.s32 $0xFFFFF086  }
0x25: {  	[simem:s6], [sflag:s4] =	dma.local [hbm:s3], $0xF7A  }
0x26: {  	[smem:$0x3F98] =	sst s1;
	(tag) =	ssettag s2;
	_ =	strace s9  }
0x27: {  	s1 =	sld [smem:$0x3FA8]  }
0x28: {  	s2 =	sld [smem:$0x3FA9]  }
0x29: {  	s4 =	sld [smem:$0x3FAB]  }
0x2a: {  	p0 =	seq.s32 s5, $0x0;
	s5 =	sld [smem:$0x3FAC]  }
0x2b: {  	s6 =	sld [smem:$0x3FAD]  }
0x2c: {  	s7 =	sld [smem:$0x3FAE]  }
0x2d: {  	s3 =	simm.s32 $0x108;
	s8 =	sld [smem:$0x3FAF]  }
0x2e: {  	s3 =	simm.s32 @!p0 $0x1082;
	s9 =	sld [smem:$0x3FB0]  }
0x2f: {  	lr =	sadd.s32 s0, s3;
	s0 =	sld [smem:$0x3FA7]  }
0x30: {  	s3 =	sld [smem:$0x3FAA]  }
0x31: {  	[smem:$0x3FB3] =	sst s10  }
0x32: {  	s10 =	sld [smem:$0x3FB1];
	_ =	sdelay $0x3  }
0x33: {  	p0 =	seq.s32 s10, $0x1;
	s10 =	sld [smem:$0x3FB3];
	_ =	sdelay $0x3  }
0x34: {  	[smem:$0x3FB3] =	sst s10  }
0x35: {  	s10 =	sld [smem:$0x3FB2];
	_ =	sdelay $0x3  }
0x36: {  	p1 =	seq.s32 s10, $0x1;
	s10 =	sld [smem:$0x3FB3];
	_ =	sdelay $0x3  }
0x37: {  	[smem:$0x3FB3] =	sst s10  }
0x38: {  	s10 =	sld [smem:$0x3FB4]  }
0x39: {  	_ = 	snop;
	(pc) =	sbr.ind lr, $3  }
0x3a: {  	_ = 	snop  }
0x3b: {  	_ = 	snop  }
0x3c: {  	p2 =	seq.s32 s10, $0x1;
	s10 =	sld [smem:$0x3FB3]  }
0x3d: {  	_ =	shalt  }
0x3e: {  	_ =	shalt  }
0x3f: {  	_ =	shalt  }
0x40: {  	_ =	shalt  }
0x41: {  	_ =	shalt  }
0x42: {  	_ =	shalt  }
0x43: {  	_ =	shalt  }
0x44: {  	_ =	shalt  }
0x45: {  	_ =	shalt  }
0x46: {  	_ =	shalt  }
0x47: {  	_ =	shalt  }
0x48: {  	_ =	shalt  }
0x49: {  	_ =	shalt  }
0x4a: {  	_ =	shalt  }
0x4b: {  	_ =	shalt  }
0x4c: {  	_ =	shalt  }
0x4d: {  	_ =	shalt  }
0x4e: {  	_ =	shalt  }
0x4f: {  	_ =	shalt  }
0x50: {  	_ =	shalt  }
0x51: {  	_ =	shalt  }
0x52: {  	_ =	shalt  }
0x53: {  	_ =	shalt  }
0x54: {  	_ =	shalt  }
0x55: {  	_ =	shalt  }
0x56: {  	_ =	shalt  }
0x57: {  	_ =	shalt  }
0x58: {  	_ =	shalt  }
0x59: {  	_ =	shalt  }
0x5a: {  	_ =	shalt  }
0x5b: {  	_ =	shalt  }
0x5c: {  	_ =	shalt  }
0x5d: {  	_ =	shalt  }
0x5e: {  	_ =	shalt  }
0x5f: {  	_ =	shalt  }
0x60: {  	_ =	shalt  }
0x61: {  	_ =	shalt  }
0x62: {  	_ =	shalt  }
0x63: {  	_ =	shalt  }
0x64: {  	_ =	shalt  }
0x65: {  	_ =	shalt  }
0x66: {  	_ =	shalt  }
0x67: {  	_ =	shalt  }
0x68: {  	_ =	shalt  }
0x69: {  	_ =	shalt  }
0x6a: {  	_ =	shalt  }
0x6b: {  	_ =	shalt  }
0x6c: {  	_ =	shalt  }
0x6d: {  	_ =	shalt  }
0x6e: {  	_ =	shalt  }
0x6f: {  	_ =	shalt  }
0x70: {  	_ =	shalt  }
0x71: {  	_ =	shalt  }
0x72: {  	_ =	shalt  }
0x73: {  	_ =	shalt  }
0x74: {  	_ =	shalt  }
0x75: {  	_ =	shalt  }
0x76: {  	_ =	shalt  }
0x77: {  	_ =	shalt  }
0x78: {  	_ =	shalt  }
0x79: {  	_ =	shalt  }
0x7a: {  	_ =	shalt  }
0x7b: {  	_ =	shalt  }
0x7c: {  	_ =	shalt  }
0x7d: {  	_ =	shalt  }
0x7e: {  	_ =	shalt  }
0x7f: {  	_ =	shalt  }
0x80: {  	_ =	shalt  }
0x81: {  	_ =	shalt  }
0x82: {  	_ =	shalt  }
0x83: {  	_ =	shalt  }
0x84: {  	_ =	shalt  }
0x85: {  	_ =	shalt  }
0x86: {  	_ =	shalt  }
0x87: {  	_ =	shalt  }
.Lfunc_end0:
.L_simem_size_0:
called_computation_lowered:
.L_overlay_start_0:
0x88: {  	s2 =	sld [smem:$0x3FD9]  }
0x89: {  	s3 =	sld [smem:$0x3FFE];
	_ =	sdelay $0x1  }
0x8a: {  	s1 =	srdreg.scid  }
0x8b: {  	s0 =	sand.u32 $0x1, s1  }
0x8c: {  	s16 =	sshll.u32 s0, $0xA;
	s2 =	sadd.s32 s3, s2  }
0x8d: {  	s2 =	sadd.s32 s2, s16  }
0x8e: {  	[smem:$0x3FBF] =	sst s2  }
0x8f: {  	_ = 	snop  }
0x90: {  	(tm) =	ssettm $0x1  }
0x91: {  	s17 =	sld [smem:$0x3FFB];
	_ =	sdelay $0x3  }
0x92: {  	_ =	strace s17  }
0x93: {  	s2 =	sld [smem:$0x3FFC];
	_ =	sdelay $0x3  }
0x94: {  	_ =	strace s2  }
0x95: {  	s2 =	sld [smem:$0x3FFD];
	_ =	sdelay $0x3  }
0x96: {  	_ =	strace s2  }
0x97: {  	_ =	strace $0x8FFFFFFF  }
0x98: {  	s18 =	sld [smem:$0x3FDB];
	_ =	sdelay $0x1  }
0x99: {  	s19 =	simm.s32 $_scs_section_size  }
0x9a: {  	s4 =	simm.s32 $_size__tile_overlayer_lowered;
	s5 =	simm.s32 $_tile_overlayer_lowered  }
0x9b: {  	s22 =	simm.s32 $0x1BFF;
	s21 =	sshll.u32 s5, $0x1;
	s2 =	sadd.s32 s19, s18  }
0x9c: {  	s6 =	simm.s32 $0x0;
	s20 =	sshll.u32 s4, $0x1;
	s4 =	sadd.s32 s21, s2  }
0x9d: {  	[timem:s6], [sflag:s22] =	dma.local [hbm:s4], s20  }
0x9e: {  	_ =	swait.ge [sflag:s22], s20  }
0x9f: {  	s3 =	ssub.s32 $0x0, s20;
	[sflag:s22] =	ssyncset.done $0x0  }
0xa0: {  	[sflag:s22] =	ssyncadd.s32 s3;
	_ =	sdelay $0x1  }
0xa1: {  	s23 =	simm.s32 $0x1B8B  }
0xa2: {  	_ =	swait.ge [sflag:s23], $0x1  }
0xa3: {  	[sflag:s23] =	ssyncset.done $0x0  }
0xa4: {  	s25 =	simm.s32 $0x1B8E;
	s24 =	sld [smem:$0x3FFE];
	[sflag:s23] =	ssyncadd.s32 $0xFFFFFFFF  }
0xa5: {  	s26 =	simm.s32 $execute0_lowered;
	[smem:$0x3FD2] =	sst s25  }
0xa6: {  	s4 =	sshll.u32 s26, $0x1;
	_ =	strace $0x80000046;
	[dreg:$0x1] =	wrdreg $0xFFFFFFFF  }
0xa7: {  	s28 =	simm.s32 $_size_execute0_lowered;
	s2 =	sadd.s32 s2, s4;
	[dreg:$0x0] =	wrdreg $0x0  }
0xa8: {  	s4 =	sshll.u32 s28, $0x1;
	[dreg:$0x2] =	wrdreg s2  }
0xa9: {  	[dreg:$0x3] =	wrdreg s4  }
0xaa: {  	[dreg:$0x4] =	wrdreg $0xC0  }
0xab: {  	_ =	task [dreg:s6], $0x5FFFF  }
0xac: {  	[dreg:$0x1] =	wrdreg $0xFFFFFFFF  }
0xad: {  	[dreg:$0x0] =	wrdreg $0x60  }
0xae: {  	[dreg:$0x2] =	wrdreg s24  }
0xaf: {  	[dreg:$0x3] =	wrdreg $0x0  }
0xb0: {  	[dreg:$0x4] =	wrdreg $0x9  }
0xb1: {  	_ =	task.clear_ibuf [dreg:s6], $0x5FFFF;
	_ =	strace $0x90000046  }
0xb2: {  	s29 =	simm.s32 $0x9;
	_ =	strace $0x80000048  }
0xb3: {  	_ =	swait.ge [sflag:s29], $0x1  }
0xb4: {  	[sflag:s29] =	ssyncadd.s32 $0xFFFFFFFF  }
0xb5: {  	_ =	strace $0x90000048  }
0xb6: {  	_ =	sfence  }
0xb7: {  	s30 =	sld [smem:$0x0];
	_ =	sdelay $0x2  }
0xb8: {  	s31 =	sshll.u32 s1, $0xD;
	s1 =	sshrl.u32 s1, $0x2  }
0xb9: {  	s3 =	sand.u32 $0x4000, s31;
	s1 =	sadd.s32 s1, s30  }
0xba: {  	s0 =	sor.u32 s3, s0;
	s1 =	sshll.u32 s1, $0x11  }
0xbb: {  	s0 =	sor.u32 s1, s0  }
0xbc: {  	s0 =	sadd.s32 $0x8F2B, s0  }
0xbd: {  	[sflag:s0] =	ssyncadd.remote.s32 $0x1  }
0xbe: {  	_ =	sfence.sel $0xFFFF  }
0xbf: {  	[dreg:$0x0] =	wrdreg $0xFFFFFFFF;
	(pc) =	sbr.abs _section_cstart, $3  }
0xc0: {  	[dreg:$0x1] =	wrdreg $0xFFFFFFFF  }
0xc1: {  	_ =	task.clear_ibuf [dreg:s6], $0x2FFFF;
	_ =	strace $0x9FFFFFFF  }
0xc2: {  	(tm) =	ssettm $0x7FFFFFFF  }
0xc3: {  	_ =	shalt  }
tec
execute0_lowered:
.L_overlay_start_1:
0x0: {  	(tag) =	ssettag $0x1  }
0x1: {  	s8 =	rddreg [dreg:$0x0]  }
0x2: {  	s2 =	rddreg [dreg:$0x1]  }
0x3: {  	s0 =	rddreg [dreg:$0x2];
	s3 =	simm.s32 $0x0;
	s4 =	srdreg.scid  }
0x4: {  	s1 =	stileid.u32;
	s14 =	simm.s32 $0x4F00;
	s15 =	simm.s32 $0x4F80  }
0x5: {  	s16 =	simm.s32 $0x80;
	s17 =	simm.s32 $0x5080;
	s18 =	simm.s32 $0x1  }
0x6: {  	s19 =	simm.s32 $0x6080;
	[smem:$0x7FF] =	sst s3;
	s9 =	sand.u32 $0x1, s4  }
0x7: {  	s10 =	smul.u32 $0x4F00, s1;
	s4 =	sadd.s32 $0xA00, s8;
	s5 =	sadd.s32 $0x1E400, s8  }
0x8: {  	s6 =	sadd.s32 $0x14600, s8;
	s7 =	sadd.s32 $0xA800, s8;
	s11 =	smul.u32 $0x4F000, s9  }
0x9: {  	_ =	strace $0x80000047;
	s12 =	ssub.s32 $0x2, s9;
	s9 =	sshll.u32 s9, $0x4  }
0xa: {  	s13 =	sshrl.u32 s12, $0x1;
	s9 =	sor.u32 s1, s9;
	s11 =	sadd.s32 s10, s11  }
0xb: {  	s12 =	ssub.s32 s12, s13;
	s9 =	smul.u32 $0x2780, s9;
	s11 =	sshrl.u32 s11, $0x3  }
0xc: {  	v0 =	vimm.f32 $0.0e+00;
	vm0 =	vcmask $0x300;
	s13 =	simm.s32 $0x2;
	s11 =	sadd.s32 s11, s8;
	s8 =	sadd.s32 s10, s2  }
0xd: {  	v1 =	vsel vm0, $0x3F800000, v0;
	s10 =	sadd.s32 $0x28200, s11;
	s11 =	smax.u32 s12, $0x1;
	s12 =	simm.s32 $0x7080  }
.LBB2_1:
0xe: {  	s20 =	simm.s32 $0x80;
	s21 =	simm.s32 $0x0  }
.LBB2_2:
0xf: {  	p0 =	sne.s32 s20, $0x13B80;
	[tilespmem:s21+$0x7080] =	vst v0;
	s22 =	smov.u32 s20;
	s20 =	sadd.s32 $0x80, s20  }
.Ltmp0:
0x10: {  	[tilespmem:s21+$0x7090] =	vst v0;
	(pc) =	sbr.rel @p0 .LBB2_2-.Ltmp0, $2  }
0x11: {  	_ =	sdelay $0x2  }
0x12: {  	s21 =	sshra.s32 s22, $0x2  }
0x13: {  	[tilespmem:s21+$0x7080] =	vst v0  }
0x14: {  	[tilespmem:s21+$0x7090] =	vst v0  }
0x15: {  	[spmem:s8] =	stream.linear.scatter [tilespmem:s12], [sflag:$0x2], $0x4F00, $0x38;
	[tilespmem:$0xBF80] =	vst v63  }
0x16: {  	_ =	swait.ge [sflag:s13], $0x4F00  }
0x17: {  	[sflag:s13] =	ssyncset.done $0x0  }
0x18: {  	s20 =	simm.s32 $0x80;
	s21 =	simm.s32 $0x0;
	[sflag:s13] =	ssyncadd.s32 $0xFFFFB100  }
.LBB2_4:
0x19: {  	p0 =	sne.s32 s20, $0x3F80;
	[tilespmem:s21+$0x6090] =	vst v1;
	s21 =	smov.u32 s20;
	s20 =	sadd.s32 $0x80, s20  }
.Ltmp1:
0x1a: {  	(pc) =	sbr.rel @p0 .LBB2_4-.Ltmp1, $2  }
0x1b: {  	_ =	sdelay $0x2  }
0x1c: {  	s21 =	sshra.s32 s21, $0x2  }
0x1d: {  	[tilespmem:s21+$0x6090] =	vst v1  }
0x1e: {  	s20 =	simm.s32 $0x0;
	s21 =	simm.s32 $0x0;
	[bflag:$0x0] =	sbarrier.arrive $0xFFFF  }
.LBB2_6:
0x1f: {  	s22 =	sshll.u32 s21, $0x7  }
0x20: {  	s22 =	sadd.s32 s9, s22  }
0x21: {  	s22 =	sshrl.u32 s22, $0x3  }
0x22: {  	s23 =	sadd.s32 s5, s22  }
0x23: {  	[tilespmem:s14], [sflag:$0x2] =	stream.linear.gather [hbm4b:s23+s20], $0x80, $0x38;
	[tilespmem:$0xBF80] =	vst v63  }
0x24: {  	_ =	swait.ge [sflag:s13], $0x80  }
0x25: {  	[sflag:s13] =	ssyncset.done $0x0  }
0x26: {  	s31 =	sadd.s32 s6, s22;
	[sflag:s13] =	ssyncadd.s32 $0xFFFFFF80  }
0x27: {  	[tilespmem:s15], [sflag:$0x2] =	stream.linear.gather [hbm4b:s31+s20], $0x80, $0x38;
	[tilespmem:$0xBF80] =	vst v63  }
0x28: {  	_ =	swait.ge [sflag:s13], $0x80  }
0x29: {  	[sflag:s13] =	ssyncset.done $0x0  }
0x2a: {  	s22 =	sadd.s32 s7, s22;
	s23 =	simm.s32 $0x5000;
	[sflag:s13] =	ssyncadd.s32 $0xFFFFFF80  }
0x2b: {  	[tilespmem:s23], [sflag:$0x2] =	stream.linear.gather [hbm4b:s22+s20], $0x80, $0x38;
	[tilespmem:$0xBF80] =	vst v63  }
0x2c: {  	_ =	swait.ge [sflag:s13], $0x80  }
0x2d: {  	[sflag:s13] =	ssyncset.done $0x0  }
0x2e: {  	[sflag:s13] =	ssyncadd.s32 $0xFFFFFF80  }
0x2f: {  	[tilespmem:s17], [sflag:$0x1] =	stream.indirect.gather [hbm4b:s4+s16], $0x20, s14, s16, $0xb8;
	[tilespmem:$0xBF80] =	vst v63  }
0x30: {  	_ =	swait.ge [sflag:s18], $0x1000  }
0x31: {  	[sflag:s18] =	ssyncset.done $0x0  }
0x32: {  	s22 =	simm.s32 $0x0;
	[sflag:s18] =	ssyncadd.s32 $0xFFFFF000  }
0x33: {  	v10 =	vld [tilespmem:s22+$0x5080]  }
0x34: {  	v12 =	vld [tilespmem:s22+$0x50A0]  }
0x35: {  	v9 =	vld [tilespmem:s22+$0x50C0]  }
0x36: {  	v11 =	vld [tilespmem:s22+$0x50E0]  }
0x37: {  	v8 =	vld [tilespmem:s22+$0x5100]  }
0x38: {  	v7 =	vld [tilespmem:s22+$0x5120]  }
0x39: {  	v6 =	vld [tilespmem:s22+$0x5140]  }
0x3a: {  	v5 =	vld [tilespmem:s22+$0x5160]  }
0x3b: {  	v4 =	vld [tilespmem:s22+$0x5180]  }
0x3c: {  	v3 =	vld [tilespmem:s22+$0x51A0]  }
0x3d: {  	v2 =	vld [tilespmem:s22+$0x51C0]  }
0x3e: {  	s24 =	simm.s32 $0x800;
	v13 =	vld [tilespmem:s23+$0x0]  }
.LBB2_7:
0x3f: {  	p0 =	sne.s32 s24, $0x3800;
	v14 =	vld [tilespmem:s22+$0x51E0]  }
0x40: {  	v15 =	vld [tilespmem:s22+$0x5090]  }
0x41: {  	v16 =	vld [tilespmem:s22+$0x50B0]  }
0x42: {  	v17 =	vld [tilespmem:s22+$0x50D0]  }
0x43: {  	v13 =	vmax.f32 v13, $0.0e+00;
	v18 =	vld [tilespmem:s22+$0x50F0]  }
0x44: {  	v13 =	vmin.f32 v13, $1.000000000e+00;
	v19 =	vld [tilespmem:s22+$0x5200]  }
0x45: {  	v20 =	vbroadcast v13, $0x0;
	v21 =	vbroadcast v13, $0x1;
	v22 =	vld [tilespmem:s22+$0x5220]  }
0x46: {  	v23 =	vbroadcast v13, $0x2;
	v24 =	vbroadcast v13, $0x3;
	v25 =	vld [tilespmem:s22+$0x5110]  }
0x47: {  	v15 =	vmul.f32 v20, v15;
	v16 =	vmul.f32 v16, v21;
	v20 =	vld [tilespmem:s22+$0x5130]  }
0x48: {  	v17 =	vmul.f32 v17, v23;
	v18 =	vmul.f32 v18, v24;
	v21 =	vld [tilespmem:s22+$0x5150]  }
0x49: {  	v10 =	vadd.f32 v15, v10;
	v12 =	vadd.f32 v16, v12;
	v15 =	vbroadcast v13, $0x4;
	v16 =	vld [tilespmem:s22+$0x5170]  }
0x4a: {  	v9 =	vadd.f32 v17, v9;
	v17 =	vbroadcast v13, $0x5;
	v11 =	vadd.f32 v18, v11;
	v18 =	vld [tilespmem:s22+$0x5190]  }
0x4b: {  	[tilespmem:s22+$0x6080] =	vst v10;
	v10 =	vmul.f32 v25, v15;
	v15 =	vbroadcast v13, $0x6;
	v23 =	vld [tilespmem:s22+$0x51B0]  }
0x4c: {  	[tilespmem:s22+$0x60A0] =	vst v12;
	v12 =	vmul.f32 v20, v17;
	v17 =	vbroadcast v13, $0x7;
	v20 =	vld [tilespmem:s22+$0x51D0]  }
0x4d: {  	[tilespmem:s22+$0x60C0] =	vst v9;
	v8 =	vadd.f32 v10, v8;
	v9 =	vmul.f32 v21, v15;
	v10 =	vbroadcast v13, $0x8;
	v15 =	vld [tilespmem:s22+$0x51F0]  }
0x4e: {  	[tilespmem:s22+$0x60E0] =	vst v11;
	v7 =	vadd.f32 v12, v7;
	v11 =	vmul.f32 v16, v17;
	v12 =	vbroadcast v13, $0x9;
	v16 =	vld [tilespmem:s22+$0x5210]  }
0x4f: {  	[tilespmem:s22+$0x6100] =	vst v8;
	v6 =	vadd.f32 v9, v6;
	v8 =	vmul.f32 v18, v10;
	v9 =	vbroadcast v13, $0xA;
	v17 =	vld [tilespmem:s22+$0x5230]  }
0x50: {  	v10 =	vbroadcast v13, $0xB;
	[tilespmem:s22+$0x6120] =	vst v7;
	v5 =	vadd.f32 v11, v5;
	v7 =	vmul.f32 v23, v12;
	v11 =	vld [tilespmem:s22+$0x5250]  }
0x51: {  	[tilespmem:s22+$0x6140] =	vst v6;
	v4 =	vadd.f32 v8, v4;
	v6 =	vmul.f32 v20, v9;
	v8 =	vbroadcast v13, $0xC;
	v18 =	vld [tilespmem:s22+$0x5270]  }
0x52: {  	[tilespmem:s22+$0x6160] =	vst v5;
	v3 =	vadd.f32 v7, v3;
	v5 =	vmul.f32 v15, v10;
	v7 =	vbroadcast v13, $0xD;
	v15 =	vld [tilespmem:s22+$0x5240]  }
0x53: {  	s25 =	sshra.s32 s24, $0x2;
	[tilespmem:s22+$0x6180] =	vst v4;
	v2 =	vadd.f32 v6, v2;
	v4 =	vmul.f32 v16, v8;
	v6 =	vbroadcast v13, $0xE;
	v16 =	vld [tilespmem:s22+$0x5260]  }
0x54: {  	v10 =	vld [tilespmem:s25+$0x5080];
	[tilespmem:s22+$0x61A0] =	vst v3;
	v3 =	vadd.f32 v5, v14;
	v5 =	vmul.f32 v17, v7;
	v7 =	vbroadcast v13, $0xF  }
0x55: {  	v12 =	vld [tilespmem:s25+$0x50A0];
	[tilespmem:s22+$0x61C0] =	vst v2;
	v2 =	vadd.f32 v4, v19;
	v4 =	vmul.f32 v11, v6  }
0x56: {  	v9 =	vld [tilespmem:s25+$0x50C0];
	[tilespmem:s22+$0x61E0] =	vst v3;
	v3 =	vadd.f32 v5, v22;
	v5 =	vmul.f32 v18, v7  }
0x57: {  	v11 =	vld [tilespmem:s25+$0x50E0];
	[tilespmem:s22+$0x6200] =	vst v2;
	v2 =	vadd.f32 v4, v15  }
0x58: {  	v8 =	vld [tilespmem:s25+$0x5100];
	[tilespmem:s22+$0x6220] =	vst v3;
	v3 =	vadd.f32 v5, v16  }
0x59: {  	v7 =	vld [tilespmem:s25+$0x5120];
	[tilespmem:s22+$0x6240] =	vst v2  }
0x5a: {  	v6 =	vld [tilespmem:s25+$0x5140];
	[tilespmem:s22+$0x6260] =	vst v3;
	s22 =	smov.u32 s25  }
.Ltmp2:
0x5b: {  	v5 =	vld [tilespmem:s22+$0x5160];
	(pc) =	sbr.rel @p0 .LBB2_7-.Ltmp2, $4  }
0x5c: {  	v4 =	vld [tilespmem:s22+$0x5180]  }
0x5d: {  	v3 =	vld [tilespmem:s22+$0x51A0]  }
0x5e: {  	s23 =	sadd.s32 $0x10, s23;
	v2 =	vld [tilespmem:s22+$0x51C0]  }
0x5f: {  	s24 =	sadd.s32 $0x800, s24;
	v13 =	vld [tilespmem:s23+$0x0]  }
0x60: {  	v14 =	vld [tilespmem:s22+$0x51E0]  }
0x61: {  	v15 =	vld [tilespmem:s22+$0x5090]  }
0x62: {  	v16 =	vld [tilespmem:s22+$0x50B0]  }
0x63: {  	v17 =	vld [tilespmem:s22+$0x50D0]  }
0x64: {  	v18 =	vld [tilespmem:s22+$0x50F0];
	v13 =	vmax.f32 v13, $0.0e+00  }
0x65: {  	v19 =	vld [tilespmem:s22+$0x5200];
	v13 =	vmin.f32 v13, $1.000000000e+00  }
0x66: {  	v21 =	vld [tilespmem:s22+$0x5220];
	v20 =	vbroadcast v13, $0x0  }
0x67: {  	v22 =	vld [tilespmem:s22+$0x5110];
	v23 =	vbroadcast v13, $0x1  }
0x68: {  	v24 =	vld [tilespmem:s22+$0x5150];
	v25 =	vbroadcast v13, $0x2;
	v15 =	vmul.f32 v20, v15  }
0x69: {  	v40 =	vld [tilespmem:s22+$0x51D0];
	v36 =	vbroadcast v13, $0x3;
	v16 =	vmul.f32 v16, v23  }
0x6a: {  	v33 =	vld [tilespmem:s22+$0x5130];
	v39 =	vbroadcast v13, $0x4;
	v17 =	vmul.f32 v17, v25;
	v10 =	vadd.f32 v15, v10  }
0x6b: {  	v34 =	vld [tilespmem:s22+$0x5170];
	v44 =	vbroadcast v13, $0x6;
	v38 =	vmul.f32 v18, v36;
	v12 =	vadd.f32 v16, v12  }
0x6c: {  	v37 =	vld [tilespmem:s22+$0x51B0];
	v51 =	vbroadcast v13, $0xA;
	v42 =	vmul.f32 v22, v39;
	v9 =	vadd.f32 v17, v9;
	[tilespmem:s22+$0x6080] =	vst v10  }
0x6d: {  	v45 =	vld [tilespmem:s22+$0x5210];
	v41 =	vbroadcast v13, $0x5;
	v18 =	vmul.f32 v24, v44;
	v11 =	vadd.f32 v38, v11;
	[tilespmem:s22+$0x60A0] =	vst v12  }
0x6e: {  	v43 =	vld [tilespmem:s22+$0x51F0];
	v46 =	vbroadcast v13, $0x7;
	v54 =	vmul.f32 v40, v51;
	v8 =	vadd.f32 v42, v8;
	[tilespmem:s22+$0x60C0] =	vst v9  }
0x6f: {  	v35 =	vld [tilespmem:s22+$0x5190];
	v50 =	vbroadcast v13, $0x9;
	v16 =	vmul.f32 v33, v41;
	v6 =	vadd.f32 v18, v6;
	[tilespmem:s22+$0x60E0] =	vst v11  }
0x70: {  	v47 =	vld [tilespmem:s22+$0x5230];
	v55 =	vbroadcast v13, $0xC;
	v15 =	vmul.f32 v34, v46;
	v2 =	vadd.f32 v54, v2;
	[tilespmem:s22+$0x6100] =	vst v8  }
0x71: {  	v49 =	vld [tilespmem:s22+$0x5250];
	v53 =	vbroadcast v13, $0xB;
	v7 =	vadd.f32 v16, v7;
	[tilespmem:s22+$0x6140] =	vst v6;
	v10 =	vmul.f32 v37, v50  }
0x72: {  	v52 =	vld [tilespmem:s22+$0x5270];
	v48 =	vbroadcast v13, $0x8;
	v58 =	vmul.f32 v45, v55;
	v5 =	vadd.f32 v15, v5;
	[tilespmem:s22+$0x61C0] =	vst v2  }
0x73: {  	v56 =	vld [tilespmem:s22+$0x5240];
	v57 =	vbroadcast v13, $0xD;
	v9 =	vmul.f32 v43, v53;
	[tilespmem:s22+$0x6120] =	vst v7;
	v3 =	vadd.f32 v10, v3  }
0x74: {  	v60 =	vld [tilespmem:s22+$0x5260];
	v59 =	vbroadcast v13, $0xE;
	v16 =	vmul.f32 v35, v48;
	v2 =	vadd.f32 v58, v19;
	[tilespmem:s22+$0x6160] =	vst v5  }
0x75: {  	v61 =	vbroadcast v13, $0xF;
	v8 =	vmul.f32 v47, v57;
	[tilespmem:s22+$0x61A0] =	vst v3;
	v3 =	vadd.f32 v9, v14  }
0x76: {  	v62 =	vmul.f32 v49, v59;
	v4 =	vadd.f32 v16, v4;
	[tilespmem:s22+$0x6200] =	vst v2  }
0x77: {  	v63 =	vmul.f32 v52, v61;
	[tilespmem:s22+$0x61E0] =	vst v3;
	v3 =	vadd.f32 v8, v21  }
0x78: {  	v2 =	vadd.f32 v62, v56;
	[tilespmem:s22+$0x6180] =	vst v4  }
0x79: {  	s21 =	sadd.s32 $0x1, s21;
	[tilespmem:s22+$0x6220] =	vst v3;
	v3 =	vadd.f32 v63, v60  }
0x7a: {  	p0 =	sne.s32 s21, $0x4F;
	[tilespmem:s22+$0x6240] =	vst v2  }
.Ltmp3:
0x7b: {  	[tilespmem:s22+$0x6260] =	vst v3;
	(pc) =	sbr.rel @p0 .LBB2_6-.Ltmp3, $4  }
0x7c: {  	[spmem:s2] =	stream.indirect.scatter.add.f32 [tilespmem:s19], [sflag:$0x2], $0x20, s15, s16, $0xb8;
	[tilespmem:$0xBF80] =	vst v63  }
0x7d: {  	_ =	swait.ge [sflag:s13], $0x1000  }
0x7e: {  	[sflag:s13] =	ssyncset.done $0x0  }
0x7f: {  	[sflag:s13] =	ssyncadd.s32 $0xFFFFF000  }
0x80: {  	s3 =	sadd.s32 $0x1, s3  }
0x81: {  	s20 =	sshll.u32 s1, $0x6;
	[bflag:$0x0] =	sbarrier.arrive $0xFFFF;
	p0 =	sne.s32 s3, s11  }
.Ltmp4:
0x82: {  	s21 =	sshrl.u32 s8, $0x3;
	s20 =	sor.u32 $0x1C02, s20;
	(pc) =	sbr.rel @p0 .LBB2_1-.Ltmp4, $4  }
0x83: {  	[hbm:s10], [sflag:s20] =	dma.local [spmem:s21], $0x9E0  }
0x84: {  	_ =	swait.ge [sflag:s13], $0x9E0  }
0x85: {  	[sflag:s13] =	ssyncset.done $0x0  }
0x86: {  	[sflag:s13] =	ssyncadd.s32 $0xFFFFF620  }
0x87: {  	_ =	sfence.sel $0x180000  }
0x88: {  	[bflag:$0x0] =	sbarrier.arrive $0xFFFF  }
0x89: {  	p0 =	sne.s32 s1, $0x0;
	_ =	strace $0x90000047  }
0x8a: {  	s0 =	sadd.s32 @!p0 $0x100000, s0;
	[bflag:$0x2] =	sbarrier.arrive $0xFFFF  }
0x8b: {  	[sflag:s0] =	ssyncadd.tile.s32 @!p0 $0x1;
	_ =	shalt  }
.Lfunc_end2:
_tile_overlayer_lowered:
.L_overlay_start_2:
0x8c: {  	(tag) =	ssettag $0x2  }
0x8d: {  	s0 =	rddreg [dreg:$0x0];
	s2 =	stileid.u32  }
0x8e: {  	s1 =	rddreg [dreg:$0x1];
	p0 =	sne.s32 s2, $0x0  }
0x8f: {  	s3 =	rddreg [dreg:$0x2];
	[bflag:$0x3] =	sbarrier.arrive $0xFFFF;
	s2 =	simm.s32 @!p0 $0x1C02  }
0x90: {  	[timem:s3], [sflag:s2] =	dma.local @!p0 [hbm:s0], s1  }
0x91: {  	s0 =	simm.s32 @!p0 $0x2  }
0x92: {  	_ =	swait.ge @!p0 [sflag:s0], s1  }
0x93: {  	s1 =	ssub.s32 @!p0 $0x0, s1;
	[sflag:s0] =	ssyncset.done @!p0 $0x0  }
0x94: {  	[sflag:s0] =	ssyncadd.s32 @!p0 s1  }
0x95: {  	[bflag:$0x3] =	sbarrier.arrive $0xFFFF  }
0x96: {  	_ =	shalt  }

</sc_bundles>
